<compile_context>
chip_gen: v7x
topology: tpu7x:2x2x1
jax: 0.10.2.dev20260603
libtpu: 0.0.44.dev20260713+nightly
codegen_flags: <defaults>
</compile_context>

<pallas_src>
import functools

import jax
import jax.numpy as jnp
from jax import lax
from jax.experimental import pallas as pl
from jax.experimental.pallas import tpu as pltpu
from jax.experimental.pallas import tpu_sc as plsc

B = 4096
D = 768
T = 8
C = 512
L = 12

BLK = 256
BP = B + T * BLK
NB = BP // BLK
GRP = 4
BH_LEN = 32

NC = 2
NS = 16
NW = NC * NS
CHUNK = B // NW
NCH = 4
SUB = CHUNK // NCH


def _route_body(votes_ref, pos_ref, bh_ref):
    v = votes_ref[...]
    cnt = jnp.concatenate(
        [jnp.sum((v == t).astype(jnp.int32), axis=0, keepdims=True)
         for t in range(T)], axis=0)
    best = cnt[T - 1:T]
    m = jnp.full((1, B), T - 1, jnp.int32)
    for t in range(T - 2, -1, -1):
        c = cnt[t:t + 1]
        take = c >= best
        best = jnp.where(take, c, best)
        m = jnp.where(take, t, m)
    oh16 = (lax.broadcasted_iota(jnp.int32, (T, B), 0) == m).astype(jnp.int16)
    cs16 = oh16
    d = 1
    while d < B:
        shifted = jnp.concatenate(
            [jnp.zeros((T, d), jnp.int16), cs16[:, :B - d]], axis=1)
        cs16 = cs16 + shifted
        d *= 2
    oh = oh16.astype(jnp.int32)
    cs = cs16.astype(jnp.int32)
    total = cs[:, B - 1:B]
    pc = ((total + BLK - 1) // BLK) * BLK
    offs = []
    acc = jnp.zeros((1, 1), jnp.int32)
    for t in range(T):
        offs.append(acc)
        acc = acc + pc[t:t + 1]
    off = jnp.concatenate(offs, axis=0)
    rank = jnp.sum(oh * cs, axis=0, keepdims=True) - 1
    base = jnp.sum(oh * off, axis=0, keepdims=True)
    pos_ref[...] = base + rank
    nbase = lax.broadcasted_iota(jnp.int32, (1, BH_LEN), 1) * BLK
    s = jnp.zeros((1, BH_LEN), jnp.int32)
    for t in range(T):
        s = s + (nbase >= off[t, 0]).astype(jnp.int32)
    thead = s - 1
    used2 = (acc + GRP * BLK - 1) // (GRP * BLK)
    nbs = lax.broadcasted_iota(jnp.int32, (1, BH_LEN), 1)
    fmap = jnp.minimum(nbs, used2 - 1)
    omap = jnp.minimum(nbs, used2)
    bh_ref[...] = jnp.concatenate([thead, fmap, omap, thead], axis=0)


def _mm_body(tbl_ref, f_ref, w_ref, b_ref, o_ref, w16_ref):
    j = pl.program_id(0)

    @pl.when(j == 0)
    def _cast_w():
        w16_ref[...] = w_ref[...].astype(jnp.bfloat16)

    @pl.when(tbl_ref[1, j] == j)
    def _compute():
        f = f_ref[...].astype(jnp.bfloat16)
        for k in range(GRP):
            t = tbl_ref[0, GRP * j + k]
            o_ref[k * BLK:(k + 1) * BLK] = (
                jnp.dot(f[k * BLK:(k + 1) * BLK], w16_ref[t],
                        preferred_element_type=jnp.float32) + b_ref[t])


def _scatter_feats_body(features, pos2d, sorted_f, i0, i1, i2, i3, rows_v,
                        semi, semr, sems):
    wid = lax.axis_index("s") * NC + lax.axis_index("c")
    bs = wid * CHUNK
    idx = [i0, i1, i2, i3]
    cps = [
        pltpu.async_copy(pos2d.at[0, pl.ds(bs + h * SUB, SUB)], idx[h], semi)
        for h in range(NCH)
    ]
    loads = [
        pltpu.async_copy(features.at[pl.ds(bs + h * SUB, SUB)],
                         rows_v.at[pl.ds(h * SUB, SUB)], semr)
        for h in range(NCH)
    ]
    stores = []
    for h in range(NCH):
        cps[h].wait()
        loads[h].wait()
        stores.append(
            pltpu.async_copy(rows_v.at[pl.ds(h * SUB, SUB)],
                             sorted_f.at[idx[h]], sems))
    for c in stores:
        c.wait()


def _gather_out_body(sorted_out, pos2d, out, i0, i1, i2, i3, rows_v, semi,
                     semr, sems):
    wid = lax.axis_index("s") * NC + lax.axis_index("c")
    bs = wid * CHUNK
    idx = [i0, i1, i2, i3]
    cps = [
        pltpu.async_copy(pos2d.at[0, pl.ds(bs + h * SUB, SUB)], idx[h], semi)
        for h in range(NCH)
    ]
    loads = []
    for h in range(NCH):
        cps[h].wait()
        loads.append(
            pltpu.async_copy(sorted_out.at[idx[h]],
                             rows_v.at[pl.ds(h * SUB, SUB)], semr))
    stores = []
    for h in range(NCH):
        loads[h].wait()
        stores.append(
            pltpu.async_copy(rows_v.at[pl.ds(h * SUB, SUB)],
                             out.at[pl.ds(bs + h * SUB, SUB)], sems))
    for c in stores:
        c.wait()


def kernel(features, votes, heads_w, heads_b):
    votes = votes.astype(jnp.int32)

    pos2d, bh2d = pl.pallas_call(
        _route_body,
        out_shape=[
            jax.ShapeDtypeStruct((1, B), jnp.int32),
            jax.ShapeDtypeStruct((4, BH_LEN), jnp.int32),
        ],
    )(votes)

    mesh = plsc.VectorSubcoreMesh(core_axis_name="c", subcore_axis_name="s")

    scatter_feats = functools.partial(
        pl.kernel,
        mesh=mesh,
        out_type=jax.ShapeDtypeStruct((BP, D), jnp.float32),
        scratch_types=[
            pltpu.VMEM((SUB,), jnp.int32),
            pltpu.VMEM((SUB,), jnp.int32),
            pltpu.VMEM((SUB,), jnp.int32),
            pltpu.VMEM((SUB,), jnp.int32),
            pltpu.VMEM((CHUNK, D), jnp.float32),
            pltpu.SemaphoreType.DMA,
            pltpu.SemaphoreType.DMA,
            pltpu.SemaphoreType.DMA,
        ],
    )(_scatter_feats_body)
    sorted_f = scatter_feats(features, pos2d)

    sorted_out = pl.pallas_call(
        _mm_body,
        grid_spec=pltpu.PrefetchScalarGridSpec(
            num_scalar_prefetch=1,
            grid=(NB // GRP,),
            in_specs=[
                pl.BlockSpec((GRP * BLK, D), lambda j, s: (s[1, j], 0)),
                pl.BlockSpec((T, D, C), lambda j, s: (0, 0, 0)),
                pl.BlockSpec((T, 1, C), lambda j, s: (0, 0, 0)),
            ],
            out_specs=pl.BlockSpec((GRP * BLK, C), lambda j, s: (s[2, j], 0)),
            scratch_shapes=[pltpu.VMEM((T, D, C), jnp.bfloat16)],
        ),
        out_shape=jax.ShapeDtypeStruct((BP + GRP * BLK, C), jnp.float32),
        compiler_params=pltpu.CompilerParams(
            dimension_semantics=("arbitrary",)),
    )(bh2d, sorted_f, heads_w, heads_b.reshape(T, 1, C))

    gather_out = functools.partial(
        pl.kernel,
        mesh=mesh,
        out_type=jax.ShapeDtypeStruct((B, C), jnp.float32),
        scratch_types=[
            pltpu.VMEM((SUB,), jnp.int32),
            pltpu.VMEM((SUB,), jnp.int32),
            pltpu.VMEM((SUB,), jnp.int32),
            pltpu.VMEM((SUB,), jnp.int32),
            pltpu.VMEM((CHUNK, C), jnp.float32),
            pltpu.SemaphoreType.DMA,
            pltpu.SemaphoreType.DMA,
            pltpu.SemaphoreType.DMA,
        ],
    )(_gather_out_body)
    return gather_out(sorted_out, pos2d)

# --- scband reference (transcript-rebuilt; emitter-appended) ---
"""Pipeline reference for scband-we-mo-einference-wrapper-17025250361628 (READ-ONLY COPY).

The authoritative reference and input builder live on the scoring server;
editing this copy changes nothing except your own understanding.
"""

import jax, jax.numpy as jnp
import numpy as np

B = 4096
D = 768
T = 8
C = 512
L = 12


def setup_inputs(seed: int = 0) -> dict:
    key = jax.random.key(seed)
    k1, k2, k3, k4 = jax.random.split(key, 4)
    features = jax.random.normal(k1, (B, D), dtype=jnp.float32)
    # per-MoE-layer selected experts (one vote per layer per sample)
    votes = jax.random.randint(k2, (L, B), 0, T, dtype=jnp.int64)
    # per-task classification heads (learned params)
    heads_w = jax.random.normal(k3, (T, D, C), dtype=jnp.float32) * 0.02
    heads_b = jax.random.normal(k4, (T, C), dtype=jnp.float32) * 0.02
    return {"features": features, "votes": votes, "heads_w": heads_w, "heads_b": heads_b}


def reference(features, votes, heads_w, heads_b):
    # collect_votes: majority vote (torch.mode over layer axis).
    # torch.mode returns the smallest value among ties; one_hot count + argmax
    # (argmax picks first/lowest index on ties) reproduces that.
    counts = jnp.sum(jax.nn.one_hot(votes, T, dtype=jnp.int32), axis=0)  # [B, T]
    majority_vote = jnp.argmax(counts, axis=1)  # [B]
    # group_samples_by_selected_head + per-group head application is
    # mathematically: out[i] = heads[majority_vote[i]](features[i]).
    # Compute all task heads, then gather the selected one per sample
    # (pad_unbatched_output is identity since all heads share num_classes).
    all_out = jnp.einsum("bd,tdc->btc", features, heads_w) + heads_b[None, :, :]  # [B, T, C]
    out = jnp.take_along_axis(all_out, majority_vote[:, None, None], axis=1)[:, 0, :]  # [B, C]
    return out

if __name__ == "__main__":
    import jax
    _d = setup_inputs()
    print(jax.jit(kernel)(*tuple(_d.values())))

</pallas_src>

<mosaic_0001>
#map = affine_map<(d0, d1) -> (0, 0)>
module attributes {stable_mosaic.version = 14 : i64} {
  func.func @_gather_out_body(%arg0: i32, %arg1: i32, %arg2: memref<7168x512xf32, #tpu.memory_space<hbm>>, %arg3: memref<1x4096xi32, #tpu.memory_space<hbm>>, %arg4: memref<4096x512xf32, #tpu.memory_space<hbm>>, %arg5: memref<32xi32, #tpu.memory_space<vmem>>, %arg6: memref<32xi32, #tpu.memory_space<vmem>>, %arg7: memref<32xi32, #tpu.memory_space<vmem>>, %arg8: memref<32xi32, #tpu.memory_space<vmem>>, %arg9: memref<128x512xf32, #tpu.memory_space<vmem>>, %arg10: memref<!tpu.dma_semaphore, #tpu.memory_space<semaphore_mem>>, %arg11: memref<!tpu.dma_semaphore, #tpu.memory_space<semaphore_mem>>, %arg12: memref<!tpu.dma_semaphore, #tpu.memory_space<semaphore_mem>>) attributes {dimension_semantics = [#tpu.dimension_semantics<core_parallel>, #tpu.dimension_semantics<subcore_parallel>], iteration_bounds = array<i64: 2, 16>, scalar_prefetch = 0 : i64, scratch_operands = 8 : i64, tpu.core_type = #tpu.core_type<sc_vector_subcore>, window_params = [{transform_indices = #map}, {transform_indices = #map}, {transform_indices = #map}]} {
    %mul3A = arith.constant 2 : i32
    %mul3A_0 = arith.muli %arg1, %mul3A : i32
    %add3A = arith.addi %mul3A_0, %arg0 : i32
    %mul3A_1 = arith.constant 128 : i32
    %mul3A_2 = arith.muli %add3A, %mul3A_1 : i32
    %add3A_3 = arith.constant 0 : i32
    %add3A_4 = arith.addi %mul3A_2, %add3A_3 : i32
    %dma_start3A = arith.constant 0 : i32
    %dma_start3A_5 = tpu.memref_slice %arg3[%dma_start3A, %add3A_4] : memref<1x4096xi32, #tpu.memory_space<hbm>> -> memref<1x32xi32, #tpu.memory_space<hbm>>
    %dma_start3A_6 = tpu.memref_squeeze %dma_start3A_5 : memref<1x32xi32, #tpu.memory_space<hbm>> -> memref<32xi32, #tpu.memory_space<hbm>>
    %dma_start3A_7 = tpu.memref_slice %arg3[%dma_start3A, %add3A_4] : memref<1x4096xi32, #tpu.memory_space<hbm>> -> memref<1x32xi32, #tpu.memory_space<hbm>>
    %dma_start3A_8 = tpu.memref_squeeze %dma_start3A_7 : memref<1x32xi32, #tpu.memory_space<hbm>> -> memref<32xi32, #tpu.memory_space<hbm>>
    tpu.enqueue_dma source(%dma_start3A_8 : memref<32xi32, #tpu.memory_space<hbm>>) target(%arg5 : memref<32xi32, #tpu.memory_space<vmem>>) target_semaphore(%arg10 : memref<!tpu.dma_semaphore, #tpu.memory_space<semaphore_mem>>)
    %add3A_9 = arith.constant 32 : i32
    %add3A_10 = arith.addi %mul3A_2, %add3A_9 : i32
    %dma_start3A_11 = arith.constant 0 : i32
    %dma_start3A_12 = tpu.memref_slice %arg3[%dma_start3A_11, %add3A_10] : memref<1x4096xi32, #tpu.memory_space<hbm>> -> memref<1x32xi32, #tpu.memory_space<hbm>>
    %dma_start3A_13 = tpu.memref_squeeze %dma_start3A_12 : memref<1x32xi32, #tpu.memory_space<hbm>> -> memref<32xi32, #tpu.memory_space<hbm>>
    %dma_start3A_14 = tpu.memref_slice %arg3[%dma_start3A_11, %add3A_10] : memref<1x4096xi32, #tpu.memory_space<hbm>> -> memref<1x32xi32, #tpu.memory_space<hbm>>
    %dma_start3A_15 = tpu.memref_squeeze %dma_start3A_14 : memref<1x32xi32, #tpu.memory_space<hbm>> -> memref<32xi32, #tpu.memory_space<hbm>>
    tpu.enqueue_dma source(%dma_start3A_15 : memref<32xi32, #tpu.memory_space<hbm>>) target(%arg6 : memref<32xi32, #tpu.memory_space<vmem>>) target_semaphore(%arg10 : memref<!tpu.dma_semaphore, #tpu.memory_space<semaphore_mem>>)
    %add3A_16 = arith.constant 64 : i32
    %add3A_17 = arith.addi %mul3A_2, %add3A_16 : i32
    %dma_start3A_18 = arith.constant 0 : i32
    %dma_start3A_19 = tpu.memref_slice %arg3[%dma_start3A_18, %add3A_17] : memref<1x4096xi32, #tpu.memory_space<hbm>> -> memref<1x32xi32, #tpu.memory_space<hbm>>
    %dma_start3A_20 = tpu.memref_squeeze %dma_start3A_19 : memref<1x32xi32, #tpu.memory_space<hbm>> -> memref<32xi32, #tpu.memory_space<hbm>>
    %dma_start3A_21 = tpu.memref_slice %arg3[%dma_start3A_18, %add3A_17] : memref<1x4096xi32, #tpu.memory_space<hbm>> -> memref<1x32xi32, #tpu.memory_space<hbm>>
    %dma_start3A_22 = tpu.memref_squeeze %dma_start3A_21 : memref<1x32xi32, #tpu.memory_space<hbm>> -> memref<32xi32, #tpu.memory_space<hbm>>
    tpu.enqueue_dma source(%dma_start3A_22 : memref<32xi32, #tpu.memory_space<hbm>>) target(%arg7 : memref<32xi32, #tpu.memory_space<vmem>>) target_semaphore(%arg10 : memref<!tpu.dma_semaphore, #tpu.memory_space<semaphore_mem>>)
    %add3A_23 = arith.constant 96 : i32
    %add3A_24 = arith.addi %mul3A_2, %add3A_23 : i32
    %dma_start3A_25 = arith.constant 0 : i32
    %dma_start3A_26 = tpu.memref_slice %arg3[%dma_start3A_25, %add3A_24] : memref<1x4096xi32, #tpu.memory_space<hbm>> -> memref<1x32xi32, #tpu.memory_space<hbm>>
    %dma_start3A_27 = tpu.memref_squeeze %dma_start3A_26 : memref<1x32xi32, #tpu.memory_space<hbm>> -> memref<32xi32, #tpu.memory_space<hbm>>
    %dma_start3A_28 = tpu.memref_slice %arg3[%dma_start3A_25, %add3A_24] : memref<1x4096xi32, #tpu.memory_space<hbm>> -> memref<1x32xi32, #tpu.memory_space<hbm>>
    %dma_start3A_29 = tpu.memref_squeeze %dma_start3A_28 : memref<1x32xi32, #tpu.memory_space<hbm>> -> memref<32xi32, #tpu.memory_space<hbm>>
    tpu.enqueue_dma source(%dma_start3A_29 : memref<32xi32, #tpu.memory_space<hbm>>) target(%arg8 : memref<32xi32, #tpu.memory_space<vmem>>) target_semaphore(%arg10 : memref<!tpu.dma_semaphore, #tpu.memory_space<semaphore_mem>>)
    %dma_wait3A = arith.constant 0 : i32
    %dma_wait3A_30 = tpu.memref_slice %arg3[%dma_wait3A, %add3A_4] : memref<1x4096xi32, #tpu.memory_space<hbm>> -> memref<1x32xi32, #tpu.memory_space<hbm>>
    %dma_wait3A_31 = tpu.memref_squeeze %dma_wait3A_30 : memref<1x32xi32, #tpu.memory_space<hbm>> -> memref<32xi32, #tpu.memory_space<hbm>>
    %dma_wait3A_32 = tpu.memref_slice %arg3[%dma_wait3A, %add3A_4] : memref<1x4096xi32, #tpu.memory_space<hbm>> -> memref<1x32xi32, #tpu.memory_space<hbm>>
    %dma_wait3A_33 = tpu.memref_squeeze %dma_wait3A_32 : memref<1x32xi32, #tpu.memory_space<hbm>> -> memref<32xi32, #tpu.memory_space<hbm>>
    tpu.wait_dma2 semaphore(%arg10 : memref<!tpu.dma_semaphore, #tpu.memory_space<semaphore_mem>>) src(%dma_wait3A_33 : memref<32xi32, #tpu.memory_space<hbm>>) dst(%arg5 : memref<32xi32, #tpu.memory_space<vmem>>)
    %dma_start3A_34 = arith.constant 0 : i32
    %dma_start3A_35 = arith.constant 0 : i32
    %dma_start3A_36 = tpu.memref_slice %arg9[%dma_start3A_34, %dma_start3A_35] : memref<128x512xf32, #tpu.memory_space<vmem>> -> memref<32x512xf32, #tpu.memory_space<vmem>>
    %dma_start3A_37 = arith.constant 0 : i32
    %dma_start3A_38 = arith.constant 0 : i32
    %dma_start3A_39 = tpu.memref_slice %arg2[%dma_start3A_37, %dma_start3A_38] : memref<7168x512xf32, #tpu.memory_space<hbm>> -> memref<7168x512xf32, #tpu.memory_space<hbm>>
    tpu.enqueue_indirect_dma source(%dma_start3A_39 : memref<7168x512xf32, #tpu.memory_space<hbm>>) target(%dma_start3A_36 : memref<32x512xf32, #tpu.memory_space<vmem>>) offsets(%arg5 : memref<32xi32, #tpu.memory_space<vmem>>) semaphore(%arg11 : memref<!tpu.dma_semaphore, #tpu.memory_space<semaphore_mem>>)
    %dma_wait3A_40 = arith.constant 0 : i32
    %dma_wait3A_41 = tpu.memref_slice %arg3[%dma_wait3A_40, %add3A_10] : memref<1x4096xi32, #tpu.memory_space<hbm>> -> memref<1x32xi32, #tpu.memory_space<hbm>>
    %dma_wait3A_42 = tpu.memref_squeeze %dma_wait3A_41 : memref<1x32xi32, #tpu.memory_space<hbm>> -> memref<32xi32, #tpu.memory_space<hbm>>
    %dma_wait3A_43 = tpu.memref_slice %arg3[%dma_wait3A_40, %add3A_10] : memref<1x4096xi32, #tpu.memory_space<hbm>> -> memref<1x32xi32, #tpu.memory_space<hbm>>
    %dma_wait3A_44 = tpu.memref_squeeze %dma_wait3A_43 : memref<1x32xi32, #tpu.memory_space<hbm>> -> memref<32xi32, #tpu.memory_space<hbm>>
    tpu.wait_dma2 semaphore(%arg10 : memref<!tpu.dma_semaphore, #tpu.memory_space<semaphore_mem>>) src(%dma_wait3A_44 : memref<32xi32, #tpu.memory_space<hbm>>) dst(%arg6 : memref<32xi32, #tpu.memory_space<vmem>>)
    %dma_start3A_45 = arith.constant 32 : i32
    %dma_start3A_46 = arith.constant 0 : i32
    %dma_start3A_47 = tpu.memref_slice %arg9[%dma_start3A_45, %dma_start3A_46] : memref<128x512xf32, #tpu.memory_space<vmem>> -> memref<32x512xf32, #tpu.memory_space<vmem>>
    %dma_start3A_48 = arith.constant 0 : i32
    %dma_start3A_49 = arith.constant 0 : i32
    %dma_start3A_50 = tpu.memref_slice %arg2[%dma_start3A_48, %dma_start3A_49] : memref<7168x512xf32, #tpu.memory_space<hbm>> -> memref<7168x512xf32, #tpu.memory_space<hbm>>
    tpu.enqueue_indirect_dma source(%dma_start3A_50 : memref<7168x512xf32, #tpu.memory_space<hbm>>) target(%dma_start3A_47 : memref<32x512xf32, #tpu.memory_space<vmem>>) offsets(%arg6 : memref<32xi32, #tpu.memory_space<vmem>>) semaphore(%arg11 : memref<!tpu.dma_semaphore, #tpu.memory_space<semaphore_mem>>)
    %dma_wait3A_51 = arith.constant 0 : i32
    %dma_wait3A_52 = tpu.memref_slice %arg3[%dma_wait3A_51, %add3A_17] : memref<1x4096xi32, #tpu.memory_space<hbm>> -> memref<1x32xi32, #tpu.memory_space<hbm>>
    %dma_wait3A_53 = tpu.memref_squeeze %dma_wait3A_52 : memref<1x32xi32, #tpu.memory_space<hbm>> -> memref<32xi32, #tpu.memory_space<hbm>>
    %dma_wait3A_54 = tpu.memref_slice %arg3[%dma_wait3A_51, %add3A_17] : memref<1x4096xi32, #tpu.memory_space<hbm>> -> memref<1x32xi32, #tpu.memory_space<hbm>>
    %dma_wait3A_55 = tpu.memref_squeeze %dma_wait3A_54 : memref<1x32xi32, #tpu.memory_space<hbm>> -> memref<32xi32, #tpu.memory_space<hbm>>
    tpu.wait_dma2 semaphore(%arg10 : memref<!tpu.dma_semaphore, #tpu.memory_space<semaphore_mem>>) src(%dma_wait3A_55 : memref<32xi32, #tpu.memory_space<hbm>>) dst(%arg7 : memref<32xi32, #tpu.memory_space<vmem>>)
    %dma_start3A_56 = arith.constant 64 : i32
    %dma_start3A_57 = arith.constant 0 : i32
    %dma_start3A_58 = tpu.memref_slice %arg9[%dma_start3A_56, %dma_start3A_57] : memref<128x512xf32, #tpu.memory_space<vmem>> -> memref<32x512xf32, #tpu.memory_space<vmem>>
    %dma_start3A_59 = arith.constant 0 : i32
    %dma_start3A_60 = arith.constant 0 : i32
    %dma_start3A_61 = tpu.memref_slice %arg2[%dma_start3A_59, %dma_start3A_60] : memref<7168x512xf32, #tpu.memory_space<hbm>> -> memref<7168x512xf32, #tpu.memory_space<hbm>>
    tpu.enqueue_indirect_dma source(%dma_start3A_61 : memref<7168x512xf32, #tpu.memory_space<hbm>>) target(%dma_start3A_58 : memref<32x512xf32, #tpu.memory_space<vmem>>) offsets(%arg7 : memref<32xi32, #tpu.memory_space<vmem>>) semaphore(%arg11 : memref<!tpu.dma_semaphore, #tpu.memory_space<semaphore_mem>>)
    %dma_wait3A_62 = arith.constant 0 : i32
    %dma_wait3A_63 = tpu.memref_slice %arg3[%dma_wait3A_62, %add3A_24] : memref<1x4096xi32, #tpu.memory_space<hbm>> -> memref<1x32xi32, #tpu.memory_space<hbm>>
    %dma_wait3A_64 = tpu.memref_squeeze %dma_wait3A_63 : memref<1x32xi32, #tpu.memory_space<hbm>> -> memref<32xi32, #tpu.memory_space<hbm>>
    %dma_wait3A_65 = tpu.memref_slice %arg3[%dma_wait3A_62, %add3A_24] : memref<1x4096xi32, #tpu.memory_space<hbm>> -> memref<1x32xi32, #tpu.memory_space<hbm>>
    %dma_wait3A_66 = tpu.memref_squeeze %dma_wait3A_65 : memref<1x32xi32, #tpu.memory_space<hbm>> -> memref<32xi32, #tpu.memory_space<hbm>>
    tpu.wait_dma2 semaphore(%arg10 : memref<!tpu.dma_semaphore, #tpu.memory_space<semaphore_mem>>) src(%dma_wait3A_66 : memref<32xi32, #tpu.memory_space<hbm>>) dst(%arg8 : memref<32xi32, #tpu.memory_space<vmem>>)
    %dma_start3A_67 = arith.constant 96 : i32
    %dma_start3A_68 = arith.constant 0 : i32
    %dma_start3A_69 = tpu.memref_slice %arg9[%dma_start3A_67, %dma_start3A_68] : memref<128x512xf32, #tpu.memory_space<vmem>> -> memref<32x512xf32, #tpu.memory_space<vmem>>
    %dma_start3A_70 = arith.constant 0 : i32
    %dma_start3A_71 = arith.constant 0 : i32
    %dma_start3A_72 = tpu.memref_slice %arg2[%dma_start3A_70, %dma_start3A_71] : memref<7168x512xf32, #tpu.memory_space<hbm>> -> memref<7168x512xf32, #tpu.memory_space<hbm>>
    tpu.enqueue_indirect_dma source(%dma_start3A_72 : memref<7168x512xf32, #tpu.memory_space<hbm>>) target(%dma_start3A_69 : memref<32x512xf32, #tpu.memory_space<vmem>>) offsets(%arg8 : memref<32xi32, #tpu.memory_space<vmem>>) semaphore(%arg11 : memref<!tpu.dma_semaphore, #tpu.memory_space<semaphore_mem>>)
    %dma_wait3A_73 = arith.constant 0 : i32
    %dma_wait3A_74 = arith.constant 0 : i32
    %dma_wait3A_75 = tpu.memref_slice %arg9[%dma_wait3A_73, %dma_wait3A_74] : memref<128x512xf32, #tpu.memory_space<vmem>> -> memref<32x512xf32, #tpu.memory_space<vmem>>
    %dma_wait3A_76 = arith.constant 0 : i32
    %dma_wait3A_77 = arith.constant 0 : i32
    %dma_wait3A_78 = tpu.memref_slice %arg2[%dma_wait3A_76, %dma_wait3A_77] : memref<7168x512xf32, #tpu.memory_space<hbm>> -> memref<7168x512xf32, #tpu.memory_space<hbm>>
    tpu.wait_indirect_dma semaphore(%arg11 : memref<!tpu.dma_semaphore, #tpu.memory_space<semaphore_mem>>) src(%dma_wait3A_78 : memref<7168x512xf32, #tpu.memory_space<hbm>>) dst(%dma_wait3A_75 : memref<32x512xf32, #tpu.memory_space<vmem>>)
    %add3A_79 = arith.constant 0 : i32
    %add3A_80 = arith.addi %mul3A_2, %add3A_79 : i32
    %dma_start3A_81 = arith.constant 0 : i32
    %dma_start3A_82 = arith.constant 0 : i32
    %dma_start3A_83 = tpu.memref_slice %arg9[%dma_start3A_81, %dma_start3A_82] : memref<128x512xf32, #tpu.memory_space<vmem>> -> memref<32x512xf32, #tpu.memory_space<vmem>>
    %dma_start3A_84 = arith.constant 0 : i32
    %dma_start3A_85 = tpu.memref_slice %arg4[%add3A_80, %dma_start3A_84] : memref<4096x512xf32, #tpu.memory_space<hbm>> -> memref<32x512xf32, #tpu.memory_space<hbm>>
    %dma_start3A_86 = arith.constant 0 : i32
    %dma_start3A_87 = tpu.memref_slice %arg4[%add3A_80, %dma_start3A_86] : memref<4096x512xf32, #tpu.memory_space<hbm>> -> memref<32x512xf32, #tpu.memory_space<hbm>>
    %dma_start3A_88 = arith.constant 0 : i32
    %dma_start3A_89 = arith.constant 0 : i32
    %dma_start3A_90 = tpu.memref_slice %arg9[%dma_start3A_88, %dma_start3A_89] : memref<128x512xf32, #tpu.memory_space<vmem>> -> memref<32x512xf32, #tpu.memory_space<vmem>>
    tpu.enqueue_dma source(%dma_start3A_90 : memref<32x512xf32, #tpu.memory_space<vmem>>) target(%dma_start3A_87 : memref<32x512xf32, #tpu.memory_space<hbm>>) target_semaphore(%arg12 : memref<!tpu.dma_semaphore, #tpu.memory_space<semaphore_mem>>)
    %dma_wait3A_91 = arith.constant 32 : i32
    %dma_wait3A_92 = arith.constant 0 : i32
    %dma_wait3A_93 = tpu.memref_slice %arg9[%dma_wait3A_91, %dma_wait3A_92] : memref<128x512xf32, #tpu.memory_space<vmem>> -> memref<32x512xf32, #tpu.memory_space<vmem>>
    %dma_wait3A_94 = arith.constant 0 : i32
    %dma_wait3A_95 = arith.constant 0 : i32
    %dma_wait3A_96 = tpu.memref_slice %arg2[%dma_wait3A_94, %dma_wait3A_95] : memref<7168x512xf32, #tpu.memory_space<hbm>> -> memref<7168x512xf32, #tpu.memory_space<hbm>>
    tpu.wait_indirect_dma semaphore(%arg11 : memref<!tpu.dma_semaphore, #tpu.memory_space<semaphore_mem>>) src(%dma_wait3A_96 : memref<7168x512xf32, #tpu.memory_space<hbm>>) dst(%dma_wait3A_93 : memref<32x512xf32, #tpu.memory_space<vmem>>)
    %add3A_97 = arith.constant 32 : i32
    %add3A_98 = arith.addi %mul3A_2, %add3A_97 : i32
    %dma_start3A_99 = arith.constant 32 : i32
    %dma_start3A_100 = arith.constant 0 : i32
    %dma_start3A_101 = tpu.memref_slice %arg9[%dma_start3A_99, %dma_start3A_100] : memref<128x512xf32, #tpu.memory_space<vmem>> -> memref<32x512xf32, #tpu.memory_space<vmem>>
    %dma_start3A_102 = arith.constant 0 : i32
    %dma_start3A_103 = tpu.memref_slice %arg4[%add3A_98, %dma_start3A_102] : memref<4096x512xf32, #tpu.memory_space<hbm>> -> memref<32x512xf32, #tpu.memory_space<hbm>>
    %dma_start3A_104 = arith.constant 0 : i32
    %dma_start3A_105 = tpu.memref_slice %arg4[%add3A_98, %dma_start3A_104] : memref<4096x512xf32, #tpu.memory_space<hbm>> -> memref<32x512xf32, #tpu.memory_space<hbm>>
    %dma_start3A_106 = arith.constant 32 : i32
    %dma_start3A_107 = arith.constant 0 : i32
    %dma_start3A_108 = tpu.memref_slice %arg9[%dma_start3A_106, %dma_start3A_107] : memref<128x512xf32, #tpu.memory_space<vmem>> -> memref<32x512xf32, #tpu.memory_space<vmem>>
    tpu.enqueue_dma source(%dma_start3A_108 : memref<32x512xf32, #tpu.memory_space<vmem>>) target(%dma_start3A_105 : memref<32x512xf32, #tpu.memory_space<hbm>>) target_semaphore(%arg12 : memref<!tpu.dma_semaphore, #tpu.memory_space<semaphore_mem>>)
    %dma_wait3A_109 = arith.constant 64 : i32
    %dma_wait3A_110 = arith.constant 0 : i32
    %dma_wait3A_111 = tpu.memref_slice %arg9[%dma_wait3A_109, %dma_wait3A_110] : memref<128x512xf32, #tpu.memory_space<vmem>> -> memref<32x512xf32, #tpu.memory_space<vmem>>
    %dma_wait3A_112 = arith.constant 0 : i32
    %dma_wait3A_113 = arith.constant 0 : i32
    %dma_wait3A_114 = tpu.memref_slice %arg2[%dma_wait3A_112, %dma_wait3A_113] : memref<7168x512xf32, #tpu.memory_space<hbm>> -> memref<7168x512xf32, #tpu.memory_space<hbm>>
    tpu.wait_indirect_dma semaphore(%arg11 : memref<!tpu.dma_semaphore, #tpu.memory_space<semaphore_mem>>) src(%dma_wait3A_114 : memref<7168x512xf32, #tpu.memory_space<hbm>>) dst(%dma_wait3A_111 : memref<32x512xf32, #tpu.memory_space<vmem>>)
    %add3A_115 = arith.constant 64 : i32
    %add3A_116 = arith.addi %mul3A_2, %add3A_115 : i32
    %dma_start3A_117 = arith.constant 64 : i32
    %dma_start3A_118 = arith.constant 0 : i32
    %dma_start3A_119 = tpu.memref_slice %arg9[%dma_start3A_117, %dma_start3A_118] : memref<128x512xf32, #tpu.memory_space<vmem>> -> memref<32x512xf32, #tpu.memory_space<vmem>>
    %dma_start3A_120 = arith.constant 0 : i32
    %dma_start3A_121 = tpu.memref_slice %arg4[%add3A_116, %dma_start3A_120] : memref<4096x512xf32, #tpu.memory_space<hbm>> -> memref<32x512xf32, #tpu.memory_space<hbm>>
    %dma_start3A_122 = arith.constant 0 : i32
    %dma_start3A_123 = tpu.memref_slice %arg4[%add3A_116, %dma_start3A_122] : memref<4096x512xf32, #tpu.memory_space<hbm>> -> memref<32x512xf32, #tpu.memory_space<hbm>>
    %dma_start3A_124 = arith.constant 64 : i32
    %dma_start3A_125 = arith.constant 0 : i32
    %dma_start3A_126 = tpu.memref_slice %arg9[%dma_start3A_124, %dma_start3A_125] : memref<128x512xf32, #tpu.memory_space<vmem>> -> memref<32x512xf32, #tpu.memory_space<vmem>>
    tpu.enqueue_dma source(%dma_start3A_126 : memref<32x512xf32, #tpu.memory_space<vmem>>) target(%dma_start3A_123 : memref<32x512xf32, #tpu.memory_space<hbm>>) target_semaphore(%arg12 : memref<!tpu.dma_semaphore, #tpu.memory_space<semaphore_mem>>)
    %dma_wait3A_127 = arith.constant 96 : i32
    %dma_wait3A_128 = arith.constant 0 : i32
    %dma_wait3A_129 = tpu.memref_slice %arg9[%dma_wait3A_127, %dma_wait3A_128] : memref<128x512xf32, #tpu.memory_space<vmem>> -> memref<32x512xf32, #tpu.memory_space<vmem>>
    %dma_wait3A_130 = arith.constant 0 : i32
    %dma_wait3A_131 = arith.constant 0 : i32
    %dma_wait3A_132 = tpu.memref_slice %arg2[%dma_wait3A_130, %dma_wait3A_131] : memref<7168x512xf32, #tpu.memory_space<hbm>> -> memref<7168x512xf32, #tpu.memory_space<hbm>>
    tpu.wait_indirect_dma semaphore(%arg11 : memref<!tpu.dma_semaphore, #tpu.memory_space<semaphore_mem>>) src(%dma_wait3A_132 : memref<7168x512xf32, #tpu.memory_space<hbm>>) dst(%dma_wait3A_129 : memref<32x512xf32, #tpu.memory_space<vmem>>)
    %add3A_133 = arith.constant 96 : i32
    %add3A_134 = arith.addi %mul3A_2, %add3A_133 : i32
    %dma_start3A_135 = arith.constant 96 : i32
    %dma_start3A_136 = arith.constant 0 : i32
    %dma_start3A_137 = tpu.memref_slice %arg9[%dma_start3A_135, %dma_start3A_136] : memref<128x512xf32, #tpu.memory_space<vmem>> -> memref<32x512xf32, #tpu.memory_space<vmem>>
    %dma_start3A_138 = arith.constant 0 : i32
    %dma_start3A_139 = tpu.memref_slice %arg4[%add3A_134, %dma_start3A_138] : memref<4096x512xf32, #tpu.memory_space<hbm>> -> memref<32x512xf32, #tpu.memory_space<hbm>>
    %dma_start3A_140 = arith.constant 0 : i32
    %dma_start3A_141 = tpu.memref_slice %arg4[%add3A_134, %dma_start3A_140] : memref<4096x512xf32, #tpu.memory_space<hbm>> -> memref<32x512xf32, #tpu.memory_space<hbm>>
    %dma_start3A_142 = arith.constant 96 : i32
    %dma_start3A_143 = arith.constant 0 : i32
    %dma_start3A_144 = tpu.memref_slice %arg9[%dma_start3A_142, %dma_start3A_143] : memref<128x512xf32, #tpu.memory_space<vmem>> -> memref<32x512xf32, #tpu.memory_space<vmem>>
    tpu.enqueue_dma source(%dma_start3A_144 : memref<32x512xf32, #tpu.memory_space<vmem>>) target(%dma_start3A_141 : memref<32x512xf32, #tpu.memory_space<hbm>>) target_semaphore(%arg12 : memref<!tpu.dma_semaphore, #tpu.memory_space<semaphore_mem>>)
    %dma_wait3A_145 = arith.constant 0 : i32
    %dma_wait3A_146 = arith.constant 0 : i32
    %dma_wait3A_147 = tpu.memref_slice %arg9[%dma_wait3A_145, %dma_wait3A_146] : memref<128x512xf32, #tpu.memory_space<vmem>> -> memref<32x512xf32, #tpu.memory_space<vmem>>
    %dma_wait3A_148 = arith.constant 0 : i32
    %dma_wait3A_149 = tpu.memref_slice %arg4[%add3A_80, %dma_wait3A_148] : memref<4096x512xf32, #tpu.memory_space<hbm>> -> memref<32x512xf32, #tpu.memory_space<hbm>>
    %dma_wait3A_150 = arith.constant 0 : i32
    %dma_wait3A_151 = tpu.memref_slice %arg4[%add3A_80, %dma_wait3A_150] : memref<4096x512xf32, #tpu.memory_space<hbm>> -> memref<32x512xf32, #tpu.memory_space<hbm>>
    %dma_wait3A_152 = arith.constant 0 : i32
    %dma_wait3A_153 = arith.constant 0 : i32
    %dma_wait3A_154 = tpu.memref_slice %arg9[%dma_wait3A_152, %dma_wait3A_153] : memref<128x512xf32, #tpu.memory_space<vmem>> -> memref<32x512xf32, #tpu.memory_space<vmem>>
    tpu.wait_dma2 semaphore(%arg12 : memref<!tpu.dma_semaphore, #tpu.memory_space<semaphore_mem>>) src(%dma_wait3A_154 : memref<32x512xf32, #tpu.memory_space<vmem>>) dst(%dma_wait3A_151 : memref<32x512xf32, #tpu.memory_space<hbm>>)
    %dma_wait3A_155 = arith.constant 32 : i32
    %dma_wait3A_156 = arith.constant 0 : i32
    %dma_wait3A_157 = tpu.memref_slice %arg9[%dma_wait3A_155, %dma_wait3A_156] : memref<128x512xf32, #tpu.memory_space<vmem>> -> memref<32x512xf32, #tpu.memory_space<vmem>>
    %dma_wait3A_158 = arith.constant 0 : i32
    %dma_wait3A_159 = tpu.memref_slice %arg4[%add3A_98, %dma_wait3A_158] : memref<4096x512xf32, #tpu.memory_space<hbm>> -> memref<32x512xf32, #tpu.memory_space<hbm>>
    %dma_wait3A_160 = arith.constant 0 : i32
    %dma_wait3A_161 = tpu.memref_slice %arg4[%add3A_98, %dma_wait3A_160] : memref<4096x512xf32, #tpu.memory_space<hbm>> -> memref<32x512xf32, #tpu.memory_space<hbm>>
    %dma_wait3A_162 = arith.constant 32 : i32
    %dma_wait3A_163 = arith.constant 0 : i32
    %dma_wait3A_164 = tpu.memref_slice %arg9[%dma_wait3A_162, %dma_wait3A_163] : memref<128x512xf32, #tpu.memory_space<vmem>> -> memref<32x512xf32, #tpu.memory_space<vmem>>
    tpu.wait_dma2 semaphore(%arg12 : memref<!tpu.dma_semaphore, #tpu.memory_space<semaphore_mem>>) src(%dma_wait3A_164 : memref<32x512xf32, #tpu.memory_space<vmem>>) dst(%dma_wait3A_161 : memref<32x512xf32, #tpu.memory_space<hbm>>)
    %dma_wait3A_165 = arith.constant 64 : i32
    %dma_wait3A_166 = arith.constant 0 : i32
    %dma_wait3A_167 = tpu.memref_slice %arg9[%dma_wait3A_165, %dma_wait3A_166] : memref<128x512xf32, #tpu.memory_space<vmem>> -> memref<32x512xf32, #tpu.memory_space<vmem>>
    %dma_wait3A_168 = arith.constant 0 : i32
    %dma_wait3A_169 = tpu.memref_slice %arg4[%add3A_116, %dma_wait3A_168] : memref<4096x512xf32, #tpu.memory_space<hbm>> -> memref<32x512xf32, #tpu.memory_space<hbm>>
    %dma_wait3A_170 = arith.constant 0 : i32
    %dma_wait3A_171 = tpu.memref_slice %arg4[%add3A_116, %dma_wait3A_170] : memref<4096x512xf32, #tpu.memory_space<hbm>> -> memref<32x512xf32, #tpu.memory_space<hbm>>
    %dma_wait3A_172 = arith.constant 64 : i32
    %dma_wait3A_173 = arith.constant 0 : i32
    %dma_wait3A_174 = tpu.memref_slice %arg9[%dma_wait3A_172, %dma_wait3A_173] : memref<128x512xf32, #tpu.memory_space<vmem>> -> memref<32x512xf32, #tpu.memory_space<vmem>>
    tpu.wait_dma2 semaphore(%arg12 : memref<!tpu.dma_semaphore, #tpu.memory_space<semaphore_mem>>) src(%dma_wait3A_174 : memref<32x512xf32, #tpu.memory_space<vmem>>) dst(%dma_wait3A_171 : memref<32x512xf32, #tpu.memory_space<hbm>>)
    %dma_wait3A_175 = arith.constant 96 : i32
    %dma_wait3A_176 = arith.constant 0 : i32
    %dma_wait3A_177 = tpu.memref_slice %arg9[%dma_wait3A_175, %dma_wait3A_176] : memref<128x512xf32, #tpu.memory_space<vmem>> -> memref<32x512xf32, #tpu.memory_space<vmem>>
    %dma_wait3A_178 = arith.constant 0 : i32
    %dma_wait3A_179 = tpu.memref_slice %arg4[%add3A_134, %dma_wait3A_178] : memref<4096x512xf32, #tpu.memory_space<hbm>> -> memref<32x512xf32, #tpu.memory_space<hbm>>
    %dma_wait3A_180 = arith.constant 0 : i32
    %dma_wait3A_181 = tpu.memref_slice %arg4[%add3A_134, %dma_wait3A_180] : memref<4096x512xf32, #tpu.memory_space<hbm>> -> memref<32x512xf32, #tpu.memory_space<hbm>>
    %dma_wait3A_182 = arith.constant 96 : i32
    %dma_wait3A_183 = arith.constant 0 : i32
    %dma_wait3A_184 = tpu.memref_slice %arg9[%dma_wait3A_182, %dma_wait3A_183] : memref<128x512xf32, #tpu.memory_space<vmem>> -> memref<32x512xf32, #tpu.memory_space<vmem>>
    tpu.wait_dma2 semaphore(%arg12 : memref<!tpu.dma_semaphore, #tpu.memory_space<semaphore_mem>>) src(%dma_wait3A_184 : memref<32x512xf32, #tpu.memory_space<vmem>>) dst(%dma_wait3A_181 : memref<32x512xf32, #tpu.memory_space<hbm>>)
    return
  }
}

#map = affine_map<(d0, d1) -> (0, 0)>
module attributes {stable_mosaic.version = 14 : i64} {
  func.func @_scatter_feats_body(%arg0: i32, %arg1: i32, %arg2: memref<4096x768xf32, #tpu.memory_space<hbm>>, %arg3: memref<1x4096xi32, #tpu.memory_space<hbm>>, %arg4: memref<6144x768xf32, #tpu.memory_space<hbm>>, %arg5: memref<32xi32, #tpu.memory_space<vmem>>, %arg6: memref<32xi32, #tpu.memory_space<vmem>>, %arg7: memref<32xi32, #tpu.memory_space<vmem>>, %arg8: memref<32xi32, #tpu.memory_space<vmem>>, %arg9: memref<128x768xf32, #tpu.memory_space<vmem>>, %arg10: memref<!tpu.dma_semaphore, #tpu.memory_space<semaphore_mem>>, %arg11: memref<!tpu.dma_semaphore, #tpu.memory_space<semaphore_mem>>, %arg12: memref<!tpu.dma_semaphore, #tpu.memory_space<semaphore_mem>>) attributes {dimension_semantics = [#tpu.dimension_semantics<core_parallel>, #tpu.dimension_semantics<subcore_parallel>], iteration_bounds = array<i64: 2, 16>, scalar_prefetch = 0 : i64, scratch_operands = 8 : i64, tpu.core_type = #tpu.core_type<sc_vector_subcore>, window_params = [{transform_indices = #map}, {transform_indices = #map}, {transform_indices = #map}]} {
    %mul3A = arith.constant 2 : i32
    %mul3A_0 = arith.muli %arg1, %mul3A : i32
    %add3A = arith.addi %mul3A_0, %arg0 : i32
    %mul3A_1 = arith.constant 128 : i32
    %mul3A_2 = arith.muli %add3A, %mul3A_1 : i32
    %add3A_3 = arith.constant 0 : i32
    %add3A_4 = arith.addi %mul3A_2, %add3A_3 : i32
    %dma_start3A = arith.constant 0 : i32
    %dma_start3A_5 = tpu.memref_slice %arg3[%dma_start3A, %add3A_4] : memref<1x4096xi32, #tpu.memory_space<hbm>> -> memref<1x32xi32, #tpu.memory_space<hbm>>
    %dma_start3A_6 = tpu.memref_squeeze %dma_start3A_5 : memref<1x32xi32, #tpu.memory_space<hbm>> -> memref<32xi32, #tpu.memory_space<hbm>>
    %dma_start3A_7 = tpu.memref_slice %arg3[%dma_start3A, %add3A_4] : memref<1x4096xi32, #tpu.memory_space<hbm>> -> memref<1x32xi32, #tpu.memory_space<hbm>>
    %dma_start3A_8 = tpu.memref_squeeze %dma_start3A_7 : memref<1x32xi32, #tpu.memory_space<hbm>> -> memref<32xi32, #tpu.memory_space<hbm>>
    tpu.enqueue_dma source(%dma_start3A_8 : memref<32xi32, #tpu.memory_space<hbm>>) target(%arg5 : memref<32xi32, #tpu.memory_space<vmem>>) target_semaphore(%arg10 : memref<!tpu.dma_semaphore, #tpu.memory_space<semaphore_mem>>)
    %add3A_9 = arith.constant 32 : i32
    %add3A_10 = arith.addi %mul3A_2, %add3A_9 : i32
    %dma_start3A_11 = arith.constant 0 : i32
    %dma_start3A_12 = tpu.memref_slice %arg3[%dma_start3A_11, %add3A_10] : memref<1x4096xi32, #tpu.memory_space<hbm>> -> memref<1x32xi32, #tpu.memory_space<hbm>>
    %dma_start3A_13 = tpu.memref_squeeze %dma_start3A_12 : memref<1x32xi32, #tpu.memory_space<hbm>> -> memref<32xi32, #tpu.memory_space<hbm>>
    %dma_start3A_14 = tpu.memref_slice %arg3[%dma_start3A_11, %add3A_10] : memref<1x4096xi32, #tpu.memory_space<hbm>> -> memref<1x32xi32, #tpu.memory_space<hbm>>
    %dma_start3A_15 = tpu.memref_squeeze %dma_start3A_14 : memref<1x32xi32, #tpu.memory_space<hbm>> -> memref<32xi32, #tpu.memory_space<hbm>>
    tpu.enqueue_dma source(%dma_start3A_15 : memref<32xi32, #tpu.memory_space<hbm>>) target(%arg6 : memref<32xi32, #tpu.memory_space<vmem>>) target_semaphore(%arg10 : memref<!tpu.dma_semaphore, #tpu.memory_space<semaphore_mem>>)
    %add3A_16 = arith.constant 64 : i32
    %add3A_17 = arith.addi %mul3A_2, %add3A_16 : i32
    %dma_start3A_18 = arith.constant 0 : i32
    %dma_start3A_19 = tpu.memref_slice %arg3[%dma_start3A_18, %add3A_17] : memref<1x4096xi32, #tpu.memory_space<hbm>> -> memref<1x32xi32, #tpu.memory_space<hbm>>
    %dma_start3A_20 = tpu.memref_squeeze %dma_start3A_19 : memref<1x32xi32, #tpu.memory_space<hbm>> -> memref<32xi32, #tpu.memory_space<hbm>>
    %dma_start3A_21 = tpu.memref_slice %arg3[%dma_start3A_18, %add3A_17] : memref<1x4096xi32, #tpu.memory_space<hbm>> -> memref<1x32xi32, #tpu.memory_space<hbm>>
    %dma_start3A_22 = tpu.memref_squeeze %dma_start3A_21 : memref<1x32xi32, #tpu.memory_space<hbm>> -> memref<32xi32, #tpu.memory_space<hbm>>
    tpu.enqueue_dma source(%dma_start3A_22 : memref<32xi32, #tpu.memory_space<hbm>>) target(%arg7 : memref<32xi32, #tpu.memory_space<vmem>>) target_semaphore(%arg10 : memref<!tpu.dma_semaphore, #tpu.memory_space<semaphore_mem>>)
    %add3A_23 = arith.constant 96 : i32
    %add3A_24 = arith.addi %mul3A_2, %add3A_23 : i32
    %dma_start3A_25 = arith.constant 0 : i32
    %dma_start3A_26 = tpu.memref_slice %arg3[%dma_start3A_25, %add3A_24] : memref<1x4096xi32, #tpu.memory_space<hbm>> -> memref<1x32xi32, #tpu.memory_space<hbm>>
    %dma_start3A_27 = tpu.memref_squeeze %dma_start3A_26 : memref<1x32xi32, #tpu.memory_space<hbm>> -> memref<32xi32, #tpu.memory_space<hbm>>
    %dma_start3A_28 = tpu.memref_slice %arg3[%dma_start3A_25, %add3A_24] : memref<1x4096xi32, #tpu.memory_space<hbm>> -> memref<1x32xi32, #tpu.memory_space<hbm>>
    %dma_start3A_29 = tpu.memref_squeeze %dma_start3A_28 : memref<1x32xi32, #tpu.memory_space<hbm>> -> memref<32xi32, #tpu.memory_space<hbm>>
    tpu.enqueue_dma source(%dma_start3A_29 : memref<32xi32, #tpu.memory_space<hbm>>) target(%arg8 : memref<32xi32, #tpu.memory_space<vmem>>) target_semaphore(%arg10 : memref<!tpu.dma_semaphore, #tpu.memory_space<semaphore_mem>>)
    %add3A_30 = arith.constant 0 : i32
    %add3A_31 = arith.addi %mul3A_2, %add3A_30 : i32
    %dma_start3A_32 = arith.constant 0 : i32
    %dma_start3A_33 = arith.constant 0 : i32
    %dma_start3A_34 = tpu.memref_slice %arg9[%dma_start3A_32, %dma_start3A_33] : memref<128x768xf32, #tpu.memory_space<vmem>> -> memref<32x768xf32, #tpu.memory_space<vmem>>
    %dma_start3A_35 = arith.constant 0 : i32
    %dma_start3A_36 = tpu.memref_slice %arg2[%add3A_31, %dma_start3A_35] : memref<4096x768xf32, #tpu.memory_space<hbm>> -> memref<32x768xf32, #tpu.memory_space<hbm>>
    %dma_start3A_37 = arith.constant 0 : i32
    %dma_start3A_38 = arith.constant 0 : i32
    %dma_start3A_39 = tpu.memref_slice %arg9[%dma_start3A_37, %dma_start3A_38] : memref<128x768xf32, #tpu.memory_space<vmem>> -> memref<32x768xf32, #tpu.memory_space<vmem>>
    %dma_start3A_40 = arith.constant 0 : i32
    %dma_start3A_41 = tpu.memref_slice %arg2[%add3A_31, %dma_start3A_40] : memref<4096x768xf32, #tpu.memory_space<hbm>> -> memref<32x768xf32, #tpu.memory_space<hbm>>
    tpu.enqueue_dma source(%dma_start3A_41 : memref<32x768xf32, #tpu.memory_space<hbm>>) target(%dma_start3A_39 : memref<32x768xf32, #tpu.memory_space<vmem>>) target_semaphore(%arg11 : memref<!tpu.dma_semaphore, #tpu.memory_space<semaphore_mem>>)
    %add3A_42 = arith.constant 32 : i32
    %add3A_43 = arith.addi %mul3A_2, %add3A_42 : i32
    %dma_start3A_44 = arith.constant 32 : i32
    %dma_start3A_45 = arith.constant 0 : i32
    %dma_start3A_46 = tpu.memref_slice %arg9[%dma_start3A_44, %dma_start3A_45] : memref<128x768xf32, #tpu.memory_space<vmem>> -> memref<32x768xf32, #tpu.memory_space<vmem>>
    %dma_start3A_47 = arith.constant 0 : i32
    %dma_start3A_48 = tpu.memref_slice %arg2[%add3A_43, %dma_start3A_47] : memref<4096x768xf32, #tpu.memory_space<hbm>> -> memref<32x768xf32, #tpu.memory_space<hbm>>
    %dma_start3A_49 = arith.constant 32 : i32
    %dma_start3A_50 = arith.constant 0 : i32
    %dma_start3A_51 = tpu.memref_slice %arg9[%dma_start3A_49, %dma_start3A_50] : memref<128x768xf32, #tpu.memory_space<vmem>> -> memref<32x768xf32, #tpu.memory_space<vmem>>
    %dma_start3A_52 = arith.constant 0 : i32
    %dma_start3A_53 = tpu.memref_slice %arg2[%add3A_43, %dma_start3A_52] : memref<4096x768xf32, #tpu.memory_space<hbm>> -> memref<32x768xf32, #tpu.memory_space<hbm>>
    tpu.enqueue_dma source(%dma_start3A_53 : memref<32x768xf32, #tpu.memory_space<hbm>>) target(%dma_start3A_51 : memref<32x768xf32, #tpu.memory_space<vmem>>) target_semaphore(%arg11 : memref<!tpu.dma_semaphore, #tpu.memory_space<semaphore_mem>>)
    %add3A_54 = arith.constant 64 : i32
    %add3A_55 = arith.addi %mul3A_2, %add3A_54 : i32
    %dma_start3A_56 = arith.constant 64 : i32
    %dma_start3A_57 = arith.constant 0 : i32
    %dma_start3A_58 = tpu.memref_slice %arg9[%dma_start3A_56, %dma_start3A_57] : memref<128x768xf32, #tpu.memory_space<vmem>> -> memref<32x768xf32, #tpu.memory_space<vmem>>
    %dma_start3A_59 = arith.constant 0 : i32
    %dma_start3A_60 = tpu.memref_slice %arg2[%add3A_55, %dma_start3A_59] : memref<4096x768xf32, #tpu.memory_space<hbm>> -> memref<32x768xf32, #tpu.memory_space<hbm>>
    %dma_start3A_61 = arith.constant 64 : i32
    %dma_start3A_62 = arith.constant 0 : i32
    %dma_start3A_63 = tpu.memref_slice %arg9[%dma_start3A_61, %dma_start3A_62] : memref<128x768xf32, #tpu.memory_space<vmem>> -> memref<32x768xf32, #tpu.memory_space<vmem>>
    %dma_start3A_64 = arith.constant 0 : i32
    %dma_start3A_65 = tpu.memref_slice %arg2[%add3A_55, %dma_start3A_64] : memref<4096x768xf32, #tpu.memory_space<hbm>> -> memref<32x768xf32, #tpu.memory_space<hbm>>
    tpu.enqueue_dma source(%dma_start3A_65 : memref<32x768xf32, #tpu.memory_space<hbm>>) target(%dma_start3A_63 : memref<32x768xf32, #tpu.memory_space<vmem>>) target_semaphore(%arg11 : memref<!tpu.dma_semaphore, #tpu.memory_space<semaphore_mem>>)
    %add3A_66 = arith.constant 96 : i32
    %add3A_67 = arith.addi %mul3A_2, %add3A_66 : i32
    %dma_start3A_68 = arith.constant 96 : i32
    %dma_start3A_69 = arith.constant 0 : i32
    %dma_start3A_70 = tpu.memref_slice %arg9[%dma_start3A_68, %dma_start3A_69] : memref<128x768xf32, #tpu.memory_space<vmem>> -> memref<32x768xf32, #tpu.memory_space<vmem>>
    %dma_start3A_71 = arith.constant 0 : i32
    %dma_start3A_72 = tpu.memref_slice %arg2[%add3A_67, %dma_start3A_71] : memref<4096x768xf32, #tpu.memory_space<hbm>> -> memref<32x768xf32, #tpu.memory_space<hbm>>
    %dma_start3A_73 = arith.constant 96 : i32
    %dma_start3A_74 = arith.constant 0 : i32
    %dma_start3A_75 = tpu.memref_slice %arg9[%dma_start3A_73, %dma_start3A_74] : memref<128x768xf32, #tpu.memory_space<vmem>> -> memref<32x768xf32, #tpu.memory_space<vmem>>
    %dma_start3A_76 = arith.constant 0 : i32
    %dma_start3A_77 = tpu.memref_slice %arg2[%add3A_67, %dma_start3A_76] : memref<4096x768xf32, #tpu.memory_space<hbm>> -> memref<32x768xf32, #tpu.memory_space<hbm>>
    tpu.enqueue_dma source(%dma_start3A_77 : memref<32x768xf32, #tpu.memory_space<hbm>>) target(%dma_start3A_75 : memref<32x768xf32, #tpu.memory_space<vmem>>) target_semaphore(%arg11 : memref<!tpu.dma_semaphore, #tpu.memory_space<semaphore_mem>>)
    %dma_wait3A = arith.constant 0 : i32
    %dma_wait3A_78 = tpu.memref_slice %arg3[%dma_wait3A, %add3A_4] : memref<1x4096xi32, #tpu.memory_space<hbm>> -> memref<1x32xi32, #tpu.memory_space<hbm>>
    %dma_wait3A_79 = tpu.memref_squeeze %dma_wait3A_78 : memref<1x32xi32, #tpu.memory_space<hbm>> -> memref<32xi32, #tpu.memory_space<hbm>>
    %dma_wait3A_80 = tpu.memref_slice %arg3[%dma_wait3A, %add3A_4] : memref<1x4096xi32, #tpu.memory_space<hbm>> -> memref<1x32xi32, #tpu.memory_space<hbm>>
    %dma_wait3A_81 = tpu.memref_squeeze %dma_wait3A_80 : memref<1x32xi32, #tpu.memory_space<hbm>> -> memref<32xi32, #tpu.memory_space<hbm>>
    tpu.wait_dma2 semaphore(%arg10 : memref<!tpu.dma_semaphore, #tpu.memory_space<semaphore_mem>>) src(%dma_wait3A_81 : memref<32xi32, #tpu.memory_space<hbm>>) dst(%arg5 : memref<32xi32, #tpu.memory_space<vmem>>)
    %dma_wait3A_82 = arith.constant 0 : i32
    %dma_wait3A_83 = arith.constant 0 : i32
    %dma_wait3A_84 = tpu.memref_slice %arg9[%dma_wait3A_82, %dma_wait3A_83] : memref<128x768xf32, #tpu.memory_space<vmem>> -> memref<32x768xf32, #tpu.memory_space<vmem>>
    %dma_wait3A_85 = arith.constant 0 : i32
    %dma_wait3A_86 = tpu.memref_slice %arg2[%add3A_31, %dma_wait3A_85] : memref<4096x768xf32, #tpu.memory_space<hbm>> -> memref<32x768xf32, #tpu.memory_space<hbm>>
    %dma_wait3A_87 = arith.constant 0 : i32
    %dma_wait3A_88 = arith.constant 0 : i32
    %dma_wait3A_89 = tpu.memref_slice %arg9[%dma_wait3A_87, %dma_wait3A_88] : memref<128x768xf32, #tpu.memory_space<vmem>> -> memref<32x768xf32, #tpu.memory_space<vmem>>
    %dma_wait3A_90 = arith.constant 0 : i32
    %dma_wait3A_91 = tpu.memref_slice %arg2[%add3A_31, %dma_wait3A_90] : memref<4096x768xf32, #tpu.memory_space<hbm>> -> memref<32x768xf32, #tpu.memory_space<hbm>>
    tpu.wait_dma2 semaphore(%arg11 : memref<!tpu.dma_semaphore, #tpu.memory_space<semaphore_mem>>) src(%dma_wait3A_91 : memref<32x768xf32, #tpu.memory_space<hbm>>) dst(%dma_wait3A_89 : memref<32x768xf32, #tpu.memory_space<vmem>>)
    %dma_start3A_92 = arith.constant 0 : i32
    %dma_start3A_93 = arith.constant 0 : i32
    %dma_start3A_94 = tpu.memref_slice %arg9[%dma_start3A_92, %dma_start3A_93] : memref<128x768xf32, #tpu.memory_space<vmem>> -> memref<32x768xf32, #tpu.memory_space<vmem>>
    %dma_start3A_95 = arith.constant 0 : i32
    %dma_start3A_96 = arith.constant 0 : i32
    %dma_start3A_97 = tpu.memref_slice %arg4[%dma_start3A_95, %dma_start3A_96] : memref<6144x768xf32, #tpu.memory_space<hbm>> -> memref<6144x768xf32, #tpu.memory_space<hbm>>
    tpu.enqueue_indirect_dma source(%dma_start3A_94 : memref<32x768xf32, #tpu.memory_space<vmem>>) target(%dma_start3A_97 : memref<6144x768xf32, #tpu.memory_space<hbm>>) offsets(%arg5 : memref<32xi32, #tpu.memory_space<vmem>>) semaphore(%arg12 : memref<!tpu.dma_semaphore, #tpu.memory_space<semaphore_mem>>)
    %dma_wait3A_98 = arith.constant 0 : i32
    %dma_wait3A_99 = tpu.memref_slice %arg3[%dma_wait3A_98, %add3A_10] : memref<1x4096xi32, #tpu.memory_space<hbm>> -> memref<1x32xi32, #tpu.memory_space<hbm>>
    %dma_wait3A_100 = tpu.memref_squeeze %dma_wait3A_99 : memref<1x32xi32, #tpu.memory_space<hbm>> -> memref<32xi32, #tpu.memory_space<hbm>>
    %dma_wait3A_101 = tpu.memref_slice %arg3[%dma_wait3A_98, %add3A_10] : memref<1x4096xi32, #tpu.memory_space<hbm>> -> memref<1x32xi32, #tpu.memory_space<hbm>>
    %dma_wait3A_102 = tpu.memref_squeeze %dma_wait3A_101 : memref<1x32xi32, #tpu.memory_space<hbm>> -> memref<32xi32, #tpu.memory_space<hbm>>
    tpu.wait_dma2 semaphore(%arg10 : memref<!tpu.dma_semaphore, #tpu.memory_space<semaphore_mem>>) src(%dma_wait3A_102 : memref<32xi32, #tpu.memory_space<hbm>>) dst(%arg6 : memref<32xi32, #tpu.memory_space<vmem>>)
    %dma_wait3A_103 = arith.constant 32 : i32
    %dma_wait3A_104 = arith.constant 0 : i32
    %dma_wait3A_105 = tpu.memref_slice %arg9[%dma_wait3A_103, %dma_wait3A_104] : memref<128x768xf32, #tpu.memory_space<vmem>> -> memref<32x768xf32, #tpu.memory_space<vmem>>
    %dma_wait3A_106 = arith.constant 0 : i32
    %dma_wait3A_107 = tpu.memref_slice %arg2[%add3A_43, %dma_wait3A_106] : memref<4096x768xf32, #tpu.memory_space<hbm>> -> memref<32x768xf32, #tpu.memory_space<hbm>>
    %dma_wait3A_108 = arith.constant 32 : i32
    %dma_wait3A_109 = arith.constant 0 : i32
    %dma_wait3A_110 = tpu.memref_slice %arg9[%dma_wait3A_108, %dma_wait3A_109] : memref<128x768xf32, #tpu.memory_space<vmem>> -> memref<32x768xf32, #tpu.memory_space<vmem>>
    %dma_wait3A_111 = arith.constant 0 : i32
    %dma_wait3A_112 = tpu.memref_slice %arg2[%add3A_43, %dma_wait3A_111] : memref<4096x768xf32, #tpu.memory_space<hbm>> -> memref<32x768xf32, #tpu.memory_space<hbm>>
    tpu.wait_dma2 semaphore(%arg11 : memref<!tpu.dma_semaphore, #tpu.memory_space<semaphore_mem>>) src(%dma_wait3A_112 : memref<32x768xf32, #tpu.memory_space<hbm>>) dst(%dma_wait3A_110 : memref<32x768xf32, #tpu.memory_space<vmem>>)
    %dma_start3A_113 = arith.constant 32 : i32
    %dma_start3A_114 = arith.constant 0 : i32
    %dma_start3A_115 = tpu.memref_slice %arg9[%dma_start3A_113, %dma_start3A_114] : memref<128x768xf32, #tpu.memory_space<vmem>> -> memref<32x768xf32, #tpu.memory_space<vmem>>
    %dma_start3A_116 = arith.constant 0 : i32
    %dma_start3A_117 = arith.constant 0 : i32
    %dma_start3A_118 = tpu.memref_slice %arg4[%dma_start3A_116, %dma_start3A_117] : memref<6144x768xf32, #tpu.memory_space<hbm>> -> memref<6144x768xf32, #tpu.memory_space<hbm>>
    tpu.enqueue_indirect_dma source(%dma_start3A_115 : memref<32x768xf32, #tpu.memory_space<vmem>>) target(%dma_start3A_118 : memref<6144x768xf32, #tpu.memory_space<hbm>>) offsets(%arg6 : memref<32xi32, #tpu.memory_space<vmem>>) semaphore(%arg12 : memref<!tpu.dma_semaphore, #tpu.memory_space<semaphore_mem>>)
    %dma_wait3A_119 = arith.constant 0 : i32
    %dma_wait3A_120 = tpu.memref_slice %arg3[%dma_wait3A_119, %add3A_17] : memref<1x4096xi32, #tpu.memory_space<hbm>> -> memref<1x32xi32, #tpu.memory_space<hbm>>
    %dma_wait3A_121 = tpu.memref_squeeze %dma_wait3A_120 : memref<1x32xi32, #tpu.memory_space<hbm>> -> memref<32xi32, #tpu.memory_space<hbm>>
    %dma_wait3A_122 = tpu.memref_slice %arg3[%dma_wait3A_119, %add3A_17] : memref<1x4096xi32, #tpu.memory_space<hbm>> -> memref<1x32xi32, #tpu.memory_space<hbm>>
    %dma_wait3A_123 = tpu.memref_squeeze %dma_wait3A_122 : memref<1x32xi32, #tpu.memory_space<hbm>> -> memref<32xi32, #tpu.memory_space<hbm>>
    tpu.wait_dma2 semaphore(%arg10 : memref<!tpu.dma_semaphore, #tpu.memory_space<semaphore_mem>>) src(%dma_wait3A_123 : memref<32xi32, #tpu.memory_space<hbm>>) dst(%arg7 : memref<32xi32, #tpu.memory_space<vmem>>)
    %dma_wait3A_124 = arith.constant 64 : i32
    %dma_wait3A_125 = arith.constant 0 : i32
    %dma_wait3A_126 = tpu.memref_slice %arg9[%dma_wait3A_124, %dma_wait3A_125] : memref<128x768xf32, #tpu.memory_space<vmem>> -> memref<32x768xf32, #tpu.memory_space<vmem>>
    %dma_wait3A_127 = arith.constant 0 : i32
    %dma_wait3A_128 = tpu.memref_slice %arg2[%add3A_55, %dma_wait3A_127] : memref<4096x768xf32, #tpu.memory_space<hbm>> -> memref<32x768xf32, #tpu.memory_space<hbm>>
    %dma_wait3A_129 = arith.constant 64 : i32
    %dma_wait3A_130 = arith.constant 0 : i32
    %dma_wait3A_131 = tpu.memref_slice %arg9[%dma_wait3A_129, %dma_wait3A_130] : memref<128x768xf32, #tpu.memory_space<vmem>> -> memref<32x768xf32, #tpu.memory_space<vmem>>
    %dma_wait3A_132 = arith.constant 0 : i32
    %dma_wait3A_133 = tpu.memref_slice %arg2[%add3A_55, %dma_wait3A_132] : memref<4096x768xf32, #tpu.memory_space<hbm>> -> memref<32x768xf32, #tpu.memory_space<hbm>>
    tpu.wait_dma2 semaphore(%arg11 : memref<!tpu.dma_semaphore, #tpu.memory_space<semaphore_mem>>) src(%dma_wait3A_133 : memref<32x768xf32, #tpu.memory_space<hbm>>) dst(%dma_wait3A_131 : memref<32x768xf32, #tpu.memory_space<vmem>>)
    %dma_start3A_134 = arith.constant 64 : i32
    %dma_start3A_135 = arith.constant 0 : i32
    %dma_start3A_136 = tpu.memref_slice %arg9[%dma_start3A_134, %dma_start3A_135] : memref<128x768xf32, #tpu.memory_space<vmem>> -> memref<32x768xf32, #tpu.memory_space<vmem>>
    %dma_start3A_137 = arith.constant 0 : i32
    %dma_start3A_138 = arith.constant 0 : i32
    %dma_start3A_139 = tpu.memref_slice %arg4[%dma_start3A_137, %dma_start3A_138] : memref<6144x768xf32, #tpu.memory_space<hbm>> -> memref<6144x768xf32, #tpu.memory_space<hbm>>
    tpu.enqueue_indirect_dma source(%dma_start3A_136 : memref<32x768xf32, #tpu.memory_space<vmem>>) target(%dma_start3A_139 : memref<6144x768xf32, #tpu.memory_space<hbm>>) offsets(%arg7 : memref<32xi32, #tpu.memory_space<vmem>>) semaphore(%arg12 : memref<!tpu.dma_semaphore, #tpu.memory_space<semaphore_mem>>)
    %dma_wait3A_140 = arith.constant 0 : i32
    %dma_wait3A_141 = tpu.memref_slice %arg3[%dma_wait3A_140, %add3A_24] : memref<1x4096xi32, #tpu.memory_space<hbm>> -> memref<1x32xi32, #tpu.memory_space<hbm>>
    %dma_wait3A_142 = tpu.memref_squeeze %dma_wait3A_141 : memref<1x32xi32, #tpu.memory_space<hbm>> -> memref<32xi32, #tpu.memory_space<hbm>>
    %dma_wait3A_143 = tpu.memref_slice %arg3[%dma_wait3A_140, %add3A_24] : memref<1x4096xi32, #tpu.memory_space<hbm>> -> memref<1x32xi32, #tpu.memory_space<hbm>>
    %dma_wait3A_144 = tpu.memref_squeeze %dma_wait3A_143 : memref<1x32xi32, #tpu.memory_space<hbm>> -> memref<32xi32, #tpu.memory_space<hbm>>
    tpu.wait_dma2 semaphore(%arg10 : memref<!tpu.dma_semaphore, #tpu.memory_space<semaphore_mem>>) src(%dma_wait3A_144 : memref<32xi32, #tpu.memory_space<hbm>>) dst(%arg8 : memref<32xi32, #tpu.memory_space<vmem>>)
    %dma_wait3A_145 = arith.constant 96 : i32
    %dma_wait3A_146 = arith.constant 0 : i32
    %dma_wait3A_147 = tpu.memref_slice %arg9[%dma_wait3A_145, %dma_wait3A_146] : memref<128x768xf32, #tpu.memory_space<vmem>> -> memref<32x768xf32, #tpu.memory_space<vmem>>
    %dma_wait3A_148 = arith.constant 0 : i32
    %dma_wait3A_149 = tpu.memref_slice %arg2[%add3A_67, %dma_wait3A_148] : memref<4096x768xf32, #tpu.memory_space<hbm>> -> memref<32x768xf32, #tpu.memory_space<hbm>>
    %dma_wait3A_150 = arith.constant 96 : i32
    %dma_wait3A_151 = arith.constant 0 : i32
    %dma_wait3A_152 = tpu.memref_slice %arg9[%dma_wait3A_150, %dma_wait3A_151] : memref<128x768xf32, #tpu.memory_space<vmem>> -> memref<32x768xf32, #tpu.memory_space<vmem>>
    %dma_wait3A_153 = arith.constant 0 : i32
    %dma_wait3A_154 = tpu.memref_slice %arg2[%add3A_67, %dma_wait3A_153] : memref<4096x768xf32, #tpu.memory_space<hbm>> -> memref<32x768xf32, #tpu.memory_space<hbm>>
    tpu.wait_dma2 semaphore(%arg11 : memref<!tpu.dma_semaphore, #tpu.memory_space<semaphore_mem>>) src(%dma_wait3A_154 : memref<32x768xf32, #tpu.memory_space<hbm>>) dst(%dma_wait3A_152 : memref<32x768xf32, #tpu.memory_space<vmem>>)
    %dma_start3A_155 = arith.constant 96 : i32
    %dma_start3A_156 = arith.constant 0 : i32
    %dma_start3A_157 = tpu.memref_slice %arg9[%dma_start3A_155, %dma_start3A_156] : memref<128x768xf32, #tpu.memory_space<vmem>> -> memref<32x768xf32, #tpu.memory_space<vmem>>
    %dma_start3A_158 = arith.constant 0 : i32
    %dma_start3A_159 = arith.constant 0 : i32
    %dma_start3A_160 = tpu.memref_slice %arg4[%dma_start3A_158, %dma_start3A_159] : memref<6144x768xf32, #tpu.memory_space<hbm>> -> memref<6144x768xf32, #tpu.memory_space<hbm>>
    tpu.enqueue_indirect_dma source(%dma_start3A_157 : memref<32x768xf32, #tpu.memory_space<vmem>>) target(%dma_start3A_160 : memref<6144x768xf32, #tpu.memory_space<hbm>>) offsets(%arg8 : memref<32xi32, #tpu.memory_space<vmem>>) semaphore(%arg12 : memref<!tpu.dma_semaphore, #tpu.memory_space<semaphore_mem>>)
    %dma_wait3A_161 = arith.constant 0 : i32
    %dma_wait3A_162 = arith.constant 0 : i32
    %dma_wait3A_163 = tpu.memref_slice %arg9[%dma_wait3A_161, %dma_wait3A_162] : memref<128x768xf32, #tpu.memory_space<vmem>> -> memref<32x768xf32, #tpu.memory_space<vmem>>
    %dma_wait3A_164 = arith.constant 0 : i32
    %dma_wait3A_165 = arith.constant 0 : i32
    %dma_wait3A_166 = tpu.memref_slice %arg4[%dma_wait3A_164, %dma_wait3A_165] : memref<6144x768xf32, #tpu.memory_space<hbm>> -> memref<6144x768xf32, #tpu.memory_space<hbm>>
    tpu.wait_indirect_dma semaphore(%arg12 : memref<!tpu.dma_semaphore, #tpu.memory_space<semaphore_mem>>) src(%dma_wait3A_163 : memref<32x768xf32, #tpu.memory_space<vmem>>) dst(%dma_wait3A_166 : memref<6144x768xf32, #tpu.memory_space<hbm>>)
    %dma_wait3A_167 = arith.constant 32 : i32
    %dma_wait3A_168 = arith.constant 0 : i32
    %dma_wait3A_169 = tpu.memref_slice %arg9[%dma_wait3A_167, %dma_wait3A_168] : memref<128x768xf32, #tpu.memory_space<vmem>> -> memref<32x768xf32, #tpu.memory_space<vmem>>
    %dma_wait3A_170 = arith.constant 0 : i32
    %dma_wait3A_171 = arith.constant 0 : i32
    %dma_wait3A_172 = tpu.memref_slice %arg4[%dma_wait3A_170, %dma_wait3A_171] : memref<6144x768xf32, #tpu.memory_space<hbm>> -> memref<6144x768xf32, #tpu.memory_space<hbm>>
    tpu.wait_indirect_dma semaphore(%arg12 : memref<!tpu.dma_semaphore, #tpu.memory_space<semaphore_mem>>) src(%dma_wait3A_169 : memref<32x768xf32, #tpu.memory_space<vmem>>) dst(%dma_wait3A_172 : memref<6144x768xf32, #tpu.memory_space<hbm>>)
    %dma_wait3A_173 = arith.constant 64 : i32
    %dma_wait3A_174 = arith.constant 0 : i32
    %dma_wait3A_175 = tpu.memref_slice %arg9[%dma_wait3A_173, %dma_wait3A_174] : memref<128x768xf32, #tpu.memory_space<vmem>> -> memref<32x768xf32, #tpu.memory_space<vmem>>
    %dma_wait3A_176 = arith.constant 0 : i32
    %dma_wait3A_177 = arith.constant 0 : i32
    %dma_wait3A_178 = tpu.memref_slice %arg4[%dma_wait3A_176, %dma_wait3A_177] : memref<6144x768xf32, #tpu.memory_space<hbm>> -> memref<6144x768xf32, #tpu.memory_space<hbm>>
    tpu.wait_indirect_dma semaphore(%arg12 : memref<!tpu.dma_semaphore, #tpu.memory_space<semaphore_mem>>) src(%dma_wait3A_175 : memref<32x768xf32, #tpu.memory_space<vmem>>) dst(%dma_wait3A_178 : memref<6144x768xf32, #tpu.memory_space<hbm>>)
    %dma_wait3A_179 = arith.constant 96 : i32
    %dma_wait3A_180 = arith.constant 0 : i32
    %dma_wait3A_181 = tpu.memref_slice %arg9[%dma_wait3A_179, %dma_wait3A_180] : memref<128x768xf32, #tpu.memory_space<vmem>> -> memref<32x768xf32, #tpu.memory_space<vmem>>
    %dma_wait3A_182 = arith.constant 0 : i32
    %dma_wait3A_183 = arith.constant 0 : i32
    %dma_wait3A_184 = tpu.memref_slice %arg4[%dma_wait3A_182, %dma_wait3A_183] : memref<6144x768xf32, #tpu.memory_space<hbm>> -> memref<6144x768xf32, #tpu.memory_space<hbm>>
    tpu.wait_indirect_dma semaphore(%arg12 : memref<!tpu.dma_semaphore, #tpu.memory_space<semaphore_mem>>) src(%dma_wait3A_181 : memref<32x768xf32, #tpu.memory_space<vmem>>) dst(%dma_wait3A_184 : memref<6144x768xf32, #tpu.memory_space<hbm>>)
    return
  }
}

module attributes {stable_mosaic.version = 14 : i64} {
  func.func @_mm_body(%arg0: i32, %arg1: memref<4x32xi32, #tpu.memory_space<smem>>, %arg2: memref<1024x768xf32, #tpu.memory_space<vmem>>, %arg3: memref<8x768x512xf32, #tpu.memory_space<vmem>>, %arg4: memref<8x1x512xf32, #tpu.memory_space<vmem>>, %arg5: memref<1024x512xf32, #tpu.memory_space<vmem>>, %arg6: memref<8x768x512xbf16, #tpu.memory_space<vmem>>) attributes {dimension_semantics = [#tpu.dimension_semantics<arbitrary>], iteration_bounds = array<i64: 6>, scalar_prefetch = 1 : i64, scratch_operands = 1 : i64, tpu.core_type = #tpu.core_type<tc>, window_params = [{transform_indices = @transform_0, window_bounds = array<i64: 1024, 768>}, {pipeline_mode = #tpu.pipeline_mode<synchronous>, transform_indices = @transform_1, window_bounds = array<i64: 8, 768, 512>}, {pipeline_mode = #tpu.pipeline_mode<synchronous>, transform_indices = @transform_2, window_bounds = array<i64: 8, 1, 512>}, {transform_indices = @transform_3, window_bounds = array<i64: 1024, 512>}]} {
    %eq3A = arith.constant 0 : i32
    %eq3A_0 = arith.cmpi eq, %arg0, %eq3A : i32
    %convert_element_type3A = arith.extui %eq3A_0 : i1 to i32
    %cond3A = arith.constant 0 : i32
    %cond3A_1 = arith.cmpi ne, %convert_element_type3A, %cond3A : i32
    scf.if %cond3A_1 {
      %get3A_8 = arith.constant 0 : index
      %get3A_9 = arith.constant 0 : index
      %get3A_10 = arith.constant 0 : index
      %get3A_11 = vector.load %arg3[%get3A_8, %get3A_9, %get3A_10] : memref<8x768x512xf32, #tpu.memory_space<vmem>>, vector<8x768x512xf32>
      %convert_element_type3A_12 = arith.truncf %get3A_11 : vector<8x768x512xf32> to vector<8x768x512xbf16>
      %swap3A = arith.constant 0 : index
      %swap3A_13 = arith.constant 0 : index
      %swap3A_14 = arith.constant 0 : index
      %swap3A_15 = vector.load %arg6[%swap3A, %swap3A_13, %swap3A_14] : memref<8x768x512xbf16, #tpu.memory_space<vmem>>, vector<8x768x512xbf16>
      tpu.vector_store %arg6[%swap3A, %swap3A_13, %swap3A_14], %convert_element_type3A_12 {strides = array<i32>} : memref<8x768x512xbf16, #tpu.memory_space<vmem>>, vector<8x768x512xbf16>,
    } else {
    }
    %get3A = arith.constant 1 : index
    %get3A_2 = arith.index_cast %arg0 : i32 to index
    %get3A_3 = memref.load %arg1[%get3A, %get3A_2] : memref<4x32xi32, #tpu.memory_space<smem>>
    %eq3A_4 = arith.cmpi eq, %get3A_3, %arg0 : i32
    %convert_element_type3A_5 = arith.extui %eq3A_4 : i1 to i32
    %cond3A_6 = arith.constant 0 : i32
    %cond3A_7 = arith.cmpi ne, %convert_element_type3A_5, %cond3A_6 : i32
    scf.if %cond3A_7 {
      %get3A_8 = arith.constant 0 : index
      %get3A_9 = arith.constant 0 : index
      %get3A_10 = vector.load %arg2[%get3A_8, %get3A_9] : memref<1024x768xf32, #tpu.memory_space<vmem>>, vector<1024x768xf32>
      %convert_element_type3A_11 = arith.truncf %get3A_10 : vector<1024x768xf32> to vector<1024x768xbf16>
      %mul3A = arith.constant 4 : i32
      %mul3A_12 = arith.muli %mul3A, %arg0 : i32
      %add3A = arith.constant 0 : i32
      %add3A_13 = arith.addi %mul3A_12, %add3A : i32
      %get3A_14 = arith.constant 0 : index
      %get3A_15 = arith.index_cast %add3A_13 : i32 to index
      %get3A_16 = memref.load %arg1[%get3A_14, %get3A_15] : memref<4x32xi32, #tpu.memory_space<smem>>
      %slice3A = vector.extract_strided_slice %convert_element_type3A_11 {offsets = [0, 0], sizes = [256, 768], strides = [1, 1]} : vector<1024x768xbf16> to vector<256x768xbf16>
      %get3A_17 = arith.index_cast %get3A_16 : i32 to index
      %get3A_18 = arith.constant 0 : index
      %get3A_19 = arith.constant 0 : index
      %get3A_20 = vector.load %arg6[%get3A_17, %get3A_18, %get3A_19] : memref<8x768x512xbf16, #tpu.memory_space<vmem>>, vector<1x768x512xbf16>
      %get3A_21 = vector.shape_cast %get3A_20 : vector<1x768x512xbf16> to vector<768x512xbf16>
      %dot_general3A = arith.constant dense<0.000000e+00> : vector<256x512xf32>
      %dot_general3A_22 = tpu.matmul %slice3A, %get3A_21, %dot_general3A {dimension_numbers = #tpu.dot_dimension_numbers<[1], [0], [0], [1], [0, 0, 1, 1], [], []>, transpose_lhs_hint = false} : vector<256x768xbf16>, vector<768x512xbf16>, vector<256x512xf32> -> vector<256x512xf32>
      %get3A_23 = arith.index_cast %get3A_16 : i32 to index
      %get3A_24 = arith.constant 0 : index
      %get3A_25 = arith.constant 0 : index
      %get3A_26 = vector.load %arg4[%get3A_23, %get3A_24, %get3A_25] : memref<8x1x512xf32, #tpu.memory_space<vmem>>, vector<1x1x512xf32>
      %get3A_27 = vector.shape_cast %get3A_26 : vector<1x1x512xf32> to vector<1x512xf32>
      %add3A_28 = vector.broadcast %get3A_27 : vector<1x512xf32> to vector<256x512xf32>
      %add3A_29 = arith.addf %dot_general3A_22, %add3A_28 : vector<256x512xf32>
      %swap3A = arith.constant 0 : index
      %swap3A_30 = arith.constant 0 : index
      %swap3A_31 = vector.load %arg5[%swap3A, %swap3A_30] : memref<1024x512xf32, #tpu.memory_space<vmem>>, vector<256x512xf32>
      tpu.vector_store %arg5[%swap3A, %swap3A_30], %add3A_29 {strides = array<i32>} : memref<1024x512xf32, #tpu.memory_space<vmem>>, vector<256x512xf32>,
      %mul3A_32 = arith.constant 4 : i32
      %mul3A_33 = arith.muli %mul3A_32, %arg0 : i32
      %add3A_34 = arith.constant 1 : i32
      %add3A_35 = arith.addi %mul3A_33, %add3A_34 : i32
      %get3A_36 = arith.constant 0 : index
      %get3A_37 = arith.index_cast %add3A_35 : i32 to index
      %get3A_38 = memref.load %arg1[%get3A_36, %get3A_37] : memref<4x32xi32, #tpu.memory_space<smem>>
      %slice3A_39 = vector.extract_strided_slice %convert_element_type3A_11 {offsets = [256, 0], sizes = [256, 768], strides = [1, 1]} : vector<1024x768xbf16> to vector<256x768xbf16>
      %get3A_40 = arith.index_cast %get3A_38 : i32 to index
      %get3A_41 = arith.constant 0 : index
      %get3A_42 = arith.constant 0 : index
      %get3A_43 = vector.load %arg6[%get3A_40, %get3A_41, %get3A_42] : memref<8x768x512xbf16, #tpu.memory_space<vmem>>, vector<1x768x512xbf16>
      %get3A_44 = vector.shape_cast %get3A_43 : vector<1x768x512xbf16> to vector<768x512xbf16>
      %dot_general3A_45 = arith.constant dense<0.000000e+00> : vector<256x512xf32>
      %dot_general3A_46 = tpu.matmul %slice3A_39, %get3A_44, %dot_general3A_45 {dimension_numbers = #tpu.dot_dimension_numbers<[1], [0], [0], [1], [0, 0, 1, 1], [], []>, transpose_lhs_hint = false} : vector<256x768xbf16>, vector<768x512xbf16>, vector<256x512xf32> -> vector<256x512xf32>
      %get3A_47 = arith.index_cast %get3A_38 : i32 to index
      %get3A_48 = arith.constant 0 : index
      %get3A_49 = arith.constant 0 : index
      %get3A_50 = vector.load %arg4[%get3A_47, %get3A_48, %get3A_49] : memref<8x1x512xf32, #tpu.memory_space<vmem>>, vector<1x1x512xf32>
      %get3A_51 = vector.shape_cast %get3A_50 : vector<1x1x512xf32> to vector<1x512xf32>
      %add3A_52 = vector.broadcast %get3A_51 : vector<1x512xf32> to vector<256x512xf32>
      %add3A_53 = arith.addf %dot_general3A_46, %add3A_52 : vector<256x512xf32>
      %swap3A_54 = arith.constant 256 : index
      %swap3A_55 = arith.constant 0 : index
      %swap3A_56 = vector.load %arg5[%swap3A_54, %swap3A_55] : memref<1024x512xf32, #tpu.memory_space<vmem>>, vector<256x512xf32>
      tpu.vector_store %arg5[%swap3A_54, %swap3A_55], %add3A_53 {strides = array<i32>} : memref<1024x512xf32, #tpu.memory_space<vmem>>, vector<256x512xf32>,
      %mul3A_57 = arith.constant 4 : i32
      %mul3A_58 = arith.muli %mul3A_57, %arg0 : i32
      %add3A_59 = arith.constant 2 : i32
      %add3A_60 = arith.addi %mul3A_58, %add3A_59 : i32
      %get3A_61 = arith.constant 0 : index
      %get3A_62 = arith.index_cast %add3A_60 : i32 to index
      %get3A_63 = memref.load %arg1[%get3A_61, %get3A_62] : memref<4x32xi32, #tpu.memory_space<smem>>
      %slice3A_64 = vector.extract_strided_slice %convert_element_type3A_11 {offsets = [512, 0], sizes = [256, 768], strides = [1, 1]} : vector<1024x768xbf16> to vector<256x768xbf16>
      %get3A_65 = arith.index_cast %get3A_63 : i32 to index
      %get3A_66 = arith.constant 0 : index
      %get3A_67 = arith.constant 0 : index
      %get3A_68 = vector.load %arg6[%get3A_65, %get3A_66, %get3A_67] : memref<8x768x512xbf16, #tpu.memory_space<vmem>>, vector<1x768x512xbf16>
      %get3A_69 = vector.shape_cast %get3A_68 : vector<1x768x512xbf16> to vector<768x512xbf16>
      %dot_general3A_70 = arith.constant dense<0.000000e+00> : vector<256x512xf32>
      %dot_general3A_71 = tpu.matmul %slice3A_64, %get3A_69, %dot_general3A_70 {dimension_numbers = #tpu.dot_dimension_numbers<[1], [0], [0], [1], [0, 0, 1, 1], [], []>, transpose_lhs_hint = false} : vector<256x768xbf16>, vector<768x512xbf16>, vector<256x512xf32> -> vector<256x512xf32>
      %get3A_72 = arith.index_cast %get3A_63 : i32 to index
      %get3A_73 = arith.constant 0 : index
      %get3A_74 = arith.constant 0 : index
      %get3A_75 = vector.load %arg4[%get3A_72, %get3A_73, %get3A_74] : memref<8x1x512xf32, #tpu.memory_space<vmem>>, vector<1x1x512xf32>
      %get3A_76 = vector.shape_cast %get3A_75 : vector<1x1x512xf32> to vector<1x512xf32>
      %add3A_77 = vector.broadcast %get3A_76 : vector<1x512xf32> to vector<256x512xf32>
      %add3A_78 = arith.addf %dot_general3A_71, %add3A_77 : vector<256x512xf32>
      %swap3A_79 = arith.constant 512 : index
      %swap3A_80 = arith.constant 0 : index
      %swap3A_81 = vector.load %arg5[%swap3A_79, %swap3A_80] : memref<1024x512xf32, #tpu.memory_space<vmem>>, vector<256x512xf32>
      tpu.vector_store %arg5[%swap3A_79, %swap3A_80], %add3A_78 {strides = array<i32>} : memref<1024x512xf32, #tpu.memory_space<vmem>>, vector<256x512xf32>,
      %mul3A_82 = arith.constant 4 : i32
      %mul3A_83 = arith.muli %mul3A_82, %arg0 : i32
      %add3A_84 = arith.constant 3 : i32
      %add3A_85 = arith.addi %mul3A_83, %add3A_84 : i32
      %get3A_86 = arith.constant 0 : index
      %get3A_87 = arith.index_cast %add3A_85 : i32 to index
      %get3A_88 = memref.load %arg1[%get3A_86, %get3A_87] : memref<4x32xi32, #tpu.memory_space<smem>>
      %slice3A_89 = vector.extract_strided_slice %convert_element_type3A_11 {offsets = [768, 0], sizes = [256, 768], strides = [1, 1]} : vector<1024x768xbf16> to vector<256x768xbf16>
      %get3A_90 = arith.index_cast %get3A_88 : i32 to index
      %get3A_91 = arith.constant 0 : index
      %get3A_92 = arith.constant 0 : index
      %get3A_93 = vector.load %arg6[%get3A_90, %get3A_91, %get3A_92] : memref<8x768x512xbf16, #tpu.memory_space<vmem>>, vector<1x768x512xbf16>
      %get3A_94 = vector.shape_cast %get3A_93 : vector<1x768x512xbf16> to vector<768x512xbf16>
      %dot_general3A_95 = arith.constant dense<0.000000e+00> : vector<256x512xf32>
      %dot_general3A_96 = tpu.matmul %slice3A_89, %get3A_94, %dot_general3A_95 {dimension_numbers = #tpu.dot_dimension_numbers<[1], [0], [0], [1], [0, 0, 1, 1], [], []>, transpose_lhs_hint = false} : vector<256x768xbf16>, vector<768x512xbf16>, vector<256x512xf32> -> vector<256x512xf32>
      %get3A_97 = arith.index_cast %get3A_88 : i32 to index
      %get3A_98 = arith.constant 0 : index
      %get3A_99 = arith.constant 0 : index
      %get3A_100 = vector.load %arg4[%get3A_97, %get3A_98, %get3A_99] : memref<8x1x512xf32, #tpu.memory_space<vmem>>, vector<1x1x512xf32>
      %get3A_101 = vector.shape_cast %get3A_100 : vector<1x1x512xf32> to vector<1x512xf32>
      %add3A_102 = vector.broadcast %get3A_101 : vector<1x512xf32> to vector<256x512xf32>
      %add3A_103 = arith.addf %dot_general3A_96, %add3A_102 : vector<256x512xf32>
      %swap3A_104 = arith.constant 768 : index
      %swap3A_105 = arith.constant 0 : index
      %swap3A_106 = vector.load %arg5[%swap3A_104, %swap3A_105] : memref<1024x512xf32, #tpu.memory_space<vmem>>, vector<256x512xf32>
      tpu.vector_store %arg5[%swap3A_104, %swap3A_105], %add3A_103 {strides = array<i32>} : memref<1024x512xf32, #tpu.memory_space<vmem>>, vector<256x512xf32>,
    } else {
    }
    return
  }
  func.func @transform_0(%arg0: i32, %arg1: memref<4x32xi32, #tpu.memory_space<smem>>) -> (i32, i32) {
    %get3A = arith.constant 1 : index
    %get3A_0 = arith.index_cast %arg0 : i32 to index
    %get3A_1 = memref.load %arg1[%get3A, %get3A_0] : memref<4x32xi32, #tpu.memory_space<smem>>
    %c0_i32 = arith.constant 0 : i32
    %c0_i32_2 = arith.constant 0 : i32
    return %get3A_1, %c0_i32 : i32, i32
  }
  func.func @transform_1(%arg0: i32, %arg1: memref<4x32xi32, #tpu.memory_space<smem>>) -> (i32, i32, i32) {
    %c0_i32 = arith.constant 0 : i32
    %c0_i32_0 = arith.constant 0 : i32
    %c0_i32_1 = arith.constant 0 : i32
    %c0_i32_2 = arith.constant 0 : i32
    return %c0_i32, %c0_i32_0, %c0_i32_1 : i32, i32, i32
  }
  func.func @transform_2(%arg0: i32, %arg1: memref<4x32xi32, #tpu.memory_space<smem>>) -> (i32, i32, i32) {
    %c0_i32 = arith.constant 0 : i32
    %c0_i32_0 = arith.constant 0 : i32
    %c0_i32_1 = arith.constant 0 : i32
    %c0_i32_2 = arith.constant 0 : i32
    return %c0_i32, %c0_i32_0, %c0_i32_1 : i32, i32, i32
  }
  func.func @transform_3(%arg0: i32, %arg1: memref<4x32xi32, #tpu.memory_space<smem>>) -> (i32, i32) {
    %get3A = arith.constant 2 : index
    %get3A_0 = arith.index_cast %arg0 : i32 to index
    %get3A_1 = memref.load %arg1[%get3A, %get3A_0] : memref<4x32xi32, #tpu.memory_space<smem>>
    %c0_i32 = arith.constant 0 : i32
    %c0_i32_2 = arith.constant 0 : i32
    return %get3A_1, %c0_i32 : i32, i32
  }
}

module attributes {stable_mosaic.version = 14 : i64} {
  func.func @_route_body(%arg0: memref<12x4096xi32, #tpu.memory_space<vmem>>, %arg1: memref<1x4096xi32, #tpu.memory_space<vmem>>, %arg2: memref<4x32xi32, #tpu.memory_space<vmem>>) attributes {dimension_semantics = [], scalar_prefetch = 0 : i64, scratch_operands = 0 : i64, tpu.core_type = #tpu.core_type<tc>} {
    %get3A = arith.constant 0 : index
    %get3A_0 = arith.constant 0 : index
    %get3A_1 = vector.load %arg0[%get3A, %get3A_0] : memref<12x4096xi32, #tpu.memory_space<vmem>>, vector<12x4096xi32>
    %eq3A = arith.constant 0 : i32
    %eq3A_2 = vector.broadcast %eq3A : i32 to vector<12x4096xi32>
    %eq3A_3 = arith.cmpi eq, %get3A_1, %eq3A_2 : vector<12x4096xi32>
    %convert_element_type3A = arith.extui %eq3A_3 : vector<12x4096xi1> to vector<12x4096xi32>
    %reduce_sum3A = arith.constant dense<0> : vector<4096xi32>
    %reduce_sum3A_4 = vector.multi_reduction <add>, %convert_element_type3A, %reduce_sum3A [0] : vector<12x4096xi32> to vector<4096xi32>
    %broadcast_in_dim3A = vector.shape_cast %reduce_sum3A_4 : vector<4096xi32> to vector<1x4096xi32>
    %eq3A_5 = arith.constant 1 : i32
    %eq3A_6 = vector.broadcast %eq3A_5 : i32 to vector<12x4096xi32>
    %eq3A_7 = arith.cmpi eq, %get3A_1, %eq3A_6 : vector<12x4096xi32>
    %convert_element_type3A_8 = arith.extui %eq3A_7 : vector<12x4096xi1> to vector<12x4096xi32>
    %reduce_sum3A_9 = arith.constant dense<0> : vector<4096xi32>
    %reduce_sum3A_10 = vector.multi_reduction <add>, %convert_element_type3A_8, %reduce_sum3A_9 [0] : vector<12x4096xi32> to vector<4096xi32>
    %broadcast_in_dim3A_11 = vector.shape_cast %reduce_sum3A_10 : vector<4096xi32> to vector<1x4096xi32>
    %eq3A_12 = arith.constant 2 : i32
    %eq3A_13 = vector.broadcast %eq3A_12 : i32 to vector<12x4096xi32>
    %eq3A_14 = arith.cmpi eq, %get3A_1, %eq3A_13 : vector<12x4096xi32>
    %convert_element_type3A_15 = arith.extui %eq3A_14 : vector<12x4096xi1> to vector<12x4096xi32>
    %reduce_sum3A_16 = arith.constant dense<0> : vector<4096xi32>
    %reduce_sum3A_17 = vector.multi_reduction <add>, %convert_element_type3A_15, %reduce_sum3A_16 [0] : vector<12x4096xi32> to vector<4096xi32>
    %broadcast_in_dim3A_18 = vector.shape_cast %reduce_sum3A_17 : vector<4096xi32> to vector<1x4096xi32>
    %eq3A_19 = arith.constant 3 : i32
    %eq3A_20 = vector.broadcast %eq3A_19 : i32 to vector<12x4096xi32>
    %eq3A_21 = arith.cmpi eq, %get3A_1, %eq3A_20 : vector<12x4096xi32>
    %convert_element_type3A_22 = arith.extui %eq3A_21 : vector<12x4096xi1> to vector<12x4096xi32>
    %reduce_sum3A_23 = arith.constant dense<0> : vector<4096xi32>
    %reduce_sum3A_24 = vector.multi_reduction <add>, %convert_element_type3A_22, %reduce_sum3A_23 [0] : vector<12x4096xi32> to vector<4096xi32>
    %broadcast_in_dim3A_25 = vector.shape_cast %reduce_sum3A_24 : vector<4096xi32> to vector<1x4096xi32>
    %eq3A_26 = arith.constant 4 : i32
    %eq3A_27 = vector.broadcast %eq3A_26 : i32 to vector<12x4096xi32>
    %eq3A_28 = arith.cmpi eq, %get3A_1, %eq3A_27 : vector<12x4096xi32>
    %convert_element_type3A_29 = arith.extui %eq3A_28 : vector<12x4096xi1> to vector<12x4096xi32>
    %reduce_sum3A_30 = arith.constant dense<0> : vector<4096xi32>
    %reduce_sum3A_31 = vector.multi_reduction <add>, %convert_element_type3A_29, %reduce_sum3A_30 [0] : vector<12x4096xi32> to vector<4096xi32>
    %broadcast_in_dim3A_32 = vector.shape_cast %reduce_sum3A_31 : vector<4096xi32> to vector<1x4096xi32>
    %eq3A_33 = arith.constant 5 : i32
    %eq3A_34 = vector.broadcast %eq3A_33 : i32 to vector<12x4096xi32>
    %eq3A_35 = arith.cmpi eq, %get3A_1, %eq3A_34 : vector<12x4096xi32>
    %convert_element_type3A_36 = arith.extui %eq3A_35 : vector<12x4096xi1> to vector<12x4096xi32>
    %reduce_sum3A_37 = arith.constant dense<0> : vector<4096xi32>
    %reduce_sum3A_38 = vector.multi_reduction <add>, %convert_element_type3A_36, %reduce_sum3A_37 [0] : vector<12x4096xi32> to vector<4096xi32>
    %broadcast_in_dim3A_39 = vector.shape_cast %reduce_sum3A_38 : vector<4096xi32> to vector<1x4096xi32>
    %eq3A_40 = arith.constant 6 : i32
    %eq3A_41 = vector.broadcast %eq3A_40 : i32 to vector<12x4096xi32>
    %eq3A_42 = arith.cmpi eq, %get3A_1, %eq3A_41 : vector<12x4096xi32>
    %convert_element_type3A_43 = arith.extui %eq3A_42 : vector<12x4096xi1> to vector<12x4096xi32>
    %reduce_sum3A_44 = arith.constant dense<0> : vector<4096xi32>
    %reduce_sum3A_45 = vector.multi_reduction <add>, %convert_element_type3A_43, %reduce_sum3A_44 [0] : vector<12x4096xi32> to vector<4096xi32>
    %broadcast_in_dim3A_46 = vector.shape_cast %reduce_sum3A_45 : vector<4096xi32> to vector<1x4096xi32>
    %eq3A_47 = arith.constant 7 : i32
    %eq3A_48 = vector.broadcast %eq3A_47 : i32 to vector<12x4096xi32>
    %eq3A_49 = arith.cmpi eq, %get3A_1, %eq3A_48 : vector<12x4096xi32>
    %convert_element_type3A_50 = arith.extui %eq3A_49 : vector<12x4096xi1> to vector<12x4096xi32>
    %reduce_sum3A_51 = arith.constant dense<0> : vector<4096xi32>
    %reduce_sum3A_52 = vector.multi_reduction <add>, %convert_element_type3A_50, %reduce_sum3A_51 [0] : vector<12x4096xi32> to vector<4096xi32>
    %broadcast_in_dim3A_53 = vector.shape_cast %reduce_sum3A_52 : vector<4096xi32> to vector<1x4096xi32>
    %concatenate3A = tpu.concatenate %broadcast_in_dim3A, %broadcast_in_dim3A_11, %broadcast_in_dim3A_18, %broadcast_in_dim3A_25, %broadcast_in_dim3A_32, %broadcast_in_dim3A_39, %broadcast_in_dim3A_46, %broadcast_in_dim3A_53 in 0 : vector<1x4096xi32>, vector<1x4096xi32>, vector<1x4096xi32>, vector<1x4096xi32>, vector<1x4096xi32>, vector<1x4096xi32>, vector<1x4096xi32>, vector<1x4096xi32> -> vector<8x4096xi32>
    %slice3A = vector.extract_strided_slice %concatenate3A {offsets = [7, 0], sizes = [1, 4096], strides = [1, 1]} : vector<8x4096xi32> to vector<1x4096xi32>
    %broadcast_in_dim3A_54 = arith.constant 7 : i32
    %broadcast_in_dim3A_55 = vector.broadcast %broadcast_in_dim3A_54 : i32 to vector<1x4096xi32>
    %slice3A_56 = vector.extract_strided_slice %concatenate3A {offsets = [6, 0], sizes = [1, 4096], strides = [1, 1]} : vector<8x4096xi32> to vector<1x4096xi32>
    %ge3A = arith.cmpi sge, %slice3A_56, %slice3A : vector<1x4096xi32>
    %select_n3A = arith.select %ge3A, %slice3A_56, %slice3A : vector<1x4096xi1>, vector<1x4096xi32>
    %jit3A = arith.constant 6 : i32
    %broadcast_in_dim3A_57 = vector.broadcast %jit3A : i32 to vector<1x4096xi32>
    %select_n3A_58 = arith.select %ge3A, %broadcast_in_dim3A_57, %broadcast_in_dim3A_55 : vector<1x4096xi1>, vector<1x4096xi32>
    %slice3A_59 = vector.extract_strided_slice %concatenate3A {offsets = [5, 0], sizes = [1, 4096], strides = [1, 1]} : vector<8x4096xi32> to vector<1x4096xi32>
    %ge3A_60 = arith.cmpi sge, %slice3A_59, %select_n3A : vector<1x4096xi32>
    %select_n3A_61 = arith.select %ge3A_60, %slice3A_59, %select_n3A : vector<1x4096xi1>, vector<1x4096xi32>
    %jit3A_62 = arith.constant 5 : i32
    %broadcast_in_dim3A_63 = vector.broadcast %jit3A_62 : i32 to vector<1x4096xi32>
    %select_n3A_64 = arith.select %ge3A_60, %broadcast_in_dim3A_63, %select_n3A_58 : vector<1x4096xi1>, vector<1x4096xi32>
    %slice3A_65 = vector.extract_strided_slice %concatenate3A {offsets = [4, 0], sizes = [1, 4096], strides = [1, 1]} : vector<8x4096xi32> to vector<1x4096xi32>
    %ge3A_66 = arith.cmpi sge, %slice3A_65, %select_n3A_61 : vector<1x4096xi32>
    %select_n3A_67 = arith.select %ge3A_66, %slice3A_65, %select_n3A_61 : vector<1x4096xi1>, vector<1x4096xi32>
    %jit3A_68 = arith.constant 4 : i32
    %broadcast_in_dim3A_69 = vector.broadcast %jit3A_68 : i32 to vector<1x4096xi32>
    %select_n3A_70 = arith.select %ge3A_66, %broadcast_in_dim3A_69, %select_n3A_64 : vector<1x4096xi1>, vector<1x4096xi32>
    %slice3A_71 = vector.extract_strided_slice %concatenate3A {offsets = [3, 0], sizes = [1, 4096], strides = [1, 1]} : vector<8x4096xi32> to vector<1x4096xi32>
    %ge3A_72 = arith.cmpi sge, %slice3A_71, %select_n3A_67 : vector<1x4096xi32>
    %select_n3A_73 = arith.select %ge3A_72, %slice3A_71, %select_n3A_67 : vector<1x4096xi1>, vector<1x4096xi32>
    %jit3A_74 = arith.constant 3 : i32
    %broadcast_in_dim3A_75 = vector.broadcast %jit3A_74 : i32 to vector<1x4096xi32>
    %select_n3A_76 = arith.select %ge3A_72, %broadcast_in_dim3A_75, %select_n3A_70 : vector<1x4096xi1>, vector<1x4096xi32>
    %slice3A_77 = vector.extract_strided_slice %concatenate3A {offsets = [2, 0], sizes = [1, 4096], strides = [1, 1]} : vector<8x4096xi32> to vector<1x4096xi32>
    %ge3A_78 = arith.cmpi sge, %slice3A_77, %select_n3A_73 : vector<1x4096xi32>
    %select_n3A_79 = arith.select %ge3A_78, %slice3A_77, %select_n3A_73 : vector<1x4096xi1>, vector<1x4096xi32>
    %jit3A_80 = arith.constant 2 : i32
    %broadcast_in_dim3A_81 = vector.broadcast %jit3A_80 : i32 to vector<1x4096xi32>
    %select_n3A_82 = arith.select %ge3A_78, %broadcast_in_dim3A_81, %select_n3A_76 : vector<1x4096xi1>, vector<1x4096xi32>
    %slice3A_83 = vector.extract_strided_slice %concatenate3A {offsets = [1, 0], sizes = [1, 4096], strides = [1, 1]} : vector<8x4096xi32> to vector<1x4096xi32>
    %ge3A_84 = arith.cmpi sge, %slice3A_83, %select_n3A_79 : vector<1x4096xi32>
    %select_n3A_85 = arith.select %ge3A_84, %slice3A_83, %select_n3A_79 : vector<1x4096xi1>, vector<1x4096xi32>
    %jit3A_86 = arith.constant 1 : i32
    %broadcast_in_dim3A_87 = vector.broadcast %jit3A_86 : i32 to vector<1x4096xi32>
    %select_n3A_88 = arith.select %ge3A_84, %broadcast_in_dim3A_87, %select_n3A_82 : vector<1x4096xi1>, vector<1x4096xi32>
    %slice3A_89 = vector.extract_strided_slice %concatenate3A {offsets = [0, 0], sizes = [1, 4096], strides = [1, 1]} : vector<8x4096xi32> to vector<1x4096xi32>
    %ge3A_90 = arith.cmpi sge, %slice3A_89, %select_n3A_85 : vector<1x4096xi32>
    %jit3A_91 = arith.constant 0 : i32
    %broadcast_in_dim3A_92 = vector.broadcast %jit3A_91 : i32 to vector<1x4096xi32>
    %select_n3A_93 = arith.select %ge3A_90, %broadcast_in_dim3A_92, %select_n3A_88 : vector<1x4096xi1>, vector<1x4096xi32>
    %iota3A = tpu.iota {dimensions = array<i32: 0>} : vector<8x4096xi32>
    %eq3A_94 = vector.broadcast %select_n3A_93 : vector<1x4096xi32> to vector<8x4096xi32>
    %eq3A_95 = arith.cmpi eq, %iota3A, %eq3A_94 : vector<8x4096xi32>
    %convert_element_type3A_96 = arith.extui %eq3A_95 : vector<8x4096xi1> to vector<8x4096xi16>
    %broadcast_in_dim3A_97 = arith.constant 0 : i16
    %broadcast_in_dim3A_98 = vector.broadcast %broadcast_in_dim3A_97 : i16 to vector<8x1xi16>
    %slice3A_99 = vector.extract_strided_slice %convert_element_type3A_96 {offsets = [0, 0], sizes = [8, 4095], strides = [1, 1]} : vector<8x4096xi16> to vector<8x4095xi16>
    %concatenate3A_100 = tpu.concatenate %broadcast_in_dim3A_98, %slice3A_99 in 1 : vector<8x1xi16>, vector<8x4095xi16> -> vector<8x4096xi16>
    %add3A = arith.addi %convert_element_type3A_96, %concatenate3A_100 : vector<8x4096xi16>
    %broadcast_in_dim3A_101 = arith.constant 0 : i16
    %broadcast_in_dim3A_102 = vector.broadcast %broadcast_in_dim3A_101 : i16 to vector<8x2xi16>
    %slice3A_103 = vector.extract_strided_slice %add3A {offsets = [0, 0], sizes = [8, 4094], strides = [1, 1]} : vector<8x4096xi16> to vector<8x4094xi16>
    %concatenate3A_104 = tpu.concatenate %broadcast_in_dim3A_102, %slice3A_103 in 1 : vector<8x2xi16>, vector<8x4094xi16> -> vector<8x4096xi16>
    %add3A_105 = arith.addi %add3A, %concatenate3A_104 : vector<8x4096xi16>
    %broadcast_in_dim3A_106 = arith.constant 0 : i16
    %broadcast_in_dim3A_107 = vector.broadcast %broadcast_in_dim3A_106 : i16 to vector<8x4xi16>
    %slice3A_108 = vector.extract_strided_slice %add3A_105 {offsets = [0, 0], sizes = [8, 4092], strides = [1, 1]} : vector<8x4096xi16> to vector<8x4092xi16>
    %concatenate3A_109 = tpu.concatenate %broadcast_in_dim3A_107, %slice3A_108 in 1 : vector<8x4xi16>, vector<8x4092xi16> -> vector<8x4096xi16>
    %add3A_110 = arith.addi %add3A_105, %concatenate3A_109 : vector<8x4096xi16>
    %broadcast_in_dim3A_111 = arith.constant 0 : i16
    %broadcast_in_dim3A_112 = vector.broadcast %broadcast_in_dim3A_111 : i16 to vector<8x8xi16>
    %slice3A_113 = vector.extract_strided_slice %add3A_110 {offsets = [0, 0], sizes = [8, 4088], strides = [1, 1]} : vector<8x4096xi16> to vector<8x4088xi16>
    %concatenate3A_114 = tpu.concatenate %broadcast_in_dim3A_112, %slice3A_113 in 1 : vector<8x8xi16>, vector<8x4088xi16> -> vector<8x4096xi16>
    %add3A_115 = arith.addi %add3A_110, %concatenate3A_114 : vector<8x4096xi16>
    %broadcast_in_dim3A_116 = arith.constant 0 : i16
    %broadcast_in_dim3A_117 = vector.broadcast %broadcast_in_dim3A_116 : i16 to vector<8x16xi16>
    %slice3A_118 = vector.extract_strided_slice %add3A_115 {offsets = [0, 0], sizes = [8, 4080], strides = [1, 1]} : vector<8x4096xi16> to vector<8x4080xi16>
    %concatenate3A_119 = tpu.concatenate %broadcast_in_dim3A_117, %slice3A_118 in 1 : vector<8x16xi16>, vector<8x4080xi16> -> vector<8x4096xi16>
    %add3A_120 = arith.addi %add3A_115, %concatenate3A_119 : vector<8x4096xi16>
    %broadcast_in_dim3A_121 = arith.constant 0 : i16
    %broadcast_in_dim3A_122 = vector.broadcast %broadcast_in_dim3A_121 : i16 to vector<8x32xi16>
    %slice3A_123 = vector.extract_strided_slice %add3A_120 {offsets = [0, 0], sizes = [8, 4064], strides = [1, 1]} : vector<8x4096xi16> to vector<8x4064xi16>
    %concatenate3A_124 = tpu.concatenate %broadcast_in_dim3A_122, %slice3A_123 in 1 : vector<8x32xi16>, vector<8x4064xi16> -> vector<8x4096xi16>
    %add3A_125 = arith.addi %add3A_120, %concatenate3A_124 : vector<8x4096xi16>
    %broadcast_in_dim3A_126 = arith.constant 0 : i16
    %broadcast_in_dim3A_127 = vector.broadcast %broadcast_in_dim3A_126 : i16 to vector<8x64xi16>
    %slice3A_128 = vector.extract_strided_slice %add3A_125 {offsets = [0, 0], sizes = [8, 4032], strides = [1, 1]} : vector<8x4096xi16> to vector<8x4032xi16>
    %concatenate3A_129 = tpu.concatenate %broadcast_in_dim3A_127, %slice3A_128 in 1 : vector<8x64xi16>, vector<8x4032xi16> -> vector<8x4096xi16>
    %add3A_130 = arith.addi %add3A_125, %concatenate3A_129 : vector<8x4096xi16>
    %broadcast_in_dim3A_131 = arith.constant 0 : i16
    %broadcast_in_dim3A_132 = vector.broadcast %broadcast_in_dim3A_131 : i16 to vector<8x128xi16>
    %slice3A_133 = vector.extract_strided_slice %add3A_130 {offsets = [0, 0], sizes = [8, 3968], strides = [1, 1]} : vector<8x4096xi16> to vector<8x3968xi16>
    %concatenate3A_134 = tpu.concatenate %broadcast_in_dim3A_132, %slice3A_133 in 1 : vector<8x128xi16>, vector<8x3968xi16> -> vector<8x4096xi16>
    %add3A_135 = arith.addi %add3A_130, %concatenate3A_134 : vector<8x4096xi16>
    %broadcast_in_dim3A_136 = arith.constant 0 : i16
    %broadcast_in_dim3A_137 = vector.broadcast %broadcast_in_dim3A_136 : i16 to vector<8x256xi16>
    %slice3A_138 = vector.extract_strided_slice %add3A_135 {offsets = [0, 0], sizes = [8, 3840], strides = [1, 1]} : vector<8x4096xi16> to vector<8x3840xi16>
    %concatenate3A_139 = tpu.concatenate %broadcast_in_dim3A_137, %slice3A_138 in 1 : vector<8x256xi16>, vector<8x3840xi16> -> vector<8x4096xi16>
    %add3A_140 = arith.addi %add3A_135, %concatenate3A_139 : vector<8x4096xi16>
    %broadcast_in_dim3A_141 = arith.constant 0 : i16
    %broadcast_in_dim3A_142 = vector.broadcast %broadcast_in_dim3A_141 : i16 to vector<8x512xi16>
    %slice3A_143 = vector.extract_strided_slice %add3A_140 {offsets = [0, 0], sizes = [8, 3584], strides = [1, 1]} : vector<8x4096xi16> to vector<8x3584xi16>
    %concatenate3A_144 = tpu.concatenate %broadcast_in_dim3A_142, %slice3A_143 in 1 : vector<8x512xi16>, vector<8x3584xi16> -> vector<8x4096xi16>
    %add3A_145 = arith.addi %add3A_140, %concatenate3A_144 : vector<8x4096xi16>
    %broadcast_in_dim3A_146 = arith.constant 0 : i16
    %broadcast_in_dim3A_147 = vector.broadcast %broadcast_in_dim3A_146 : i16 to vector<8x1024xi16>
    %slice3A_148 = vector.extract_strided_slice %add3A_145 {offsets = [0, 0], sizes = [8, 3072], strides = [1, 1]} : vector<8x4096xi16> to vector<8x3072xi16>
    %concatenate3A_149 = tpu.concatenate %broadcast_in_dim3A_147, %slice3A_148 in 1 : vector<8x1024xi16>, vector<8x3072xi16> -> vector<8x4096xi16>
    %add3A_150 = arith.addi %add3A_145, %concatenate3A_149 : vector<8x4096xi16>
    %broadcast_in_dim3A_151 = arith.constant 0 : i16
    %broadcast_in_dim3A_152 = vector.broadcast %broadcast_in_dim3A_151 : i16 to vector<8x2048xi16>
    %slice3A_153 = vector.extract_strided_slice %add3A_150 {offsets = [0, 0], sizes = [8, 2048], strides = [1, 1]} : vector<8x4096xi16> to vector<8x2048xi16>
    %concatenate3A_154 = tpu.concatenate %broadcast_in_dim3A_152, %slice3A_153 in 1 : vector<8x2048xi16>, vector<8x2048xi16> -> vector<8x4096xi16>
    %add3A_155 = arith.addi %add3A_150, %concatenate3A_154 : vector<8x4096xi16>
    %convert_element_type3A_156 = arith.extsi %convert_element_type3A_96 : vector<8x4096xi16> to vector<8x4096xi32>
    %convert_element_type3A_157 = arith.extsi %add3A_155 : vector<8x4096xi16> to vector<8x4096xi32>
    %slice3A_158 = vector.extract_strided_slice %convert_element_type3A_157 {offsets = [0, 4095], sizes = [8, 1], strides = [1, 1]} : vector<8x4096xi32> to vector<8x1xi32>
    %add3A_159 = arith.constant 256 : i32
    %add3A_160 = vector.broadcast %add3A_159 : i32 to vector<8x1xi32>
    %add3A_161 = arith.addi %slice3A_158, %add3A_160 : vector<8x1xi32>
    %sub3A = arith.constant 1 : i32
    %sub3A_162 = vector.broadcast %sub3A : i32 to vector<8x1xi32>
    %sub3A_163 = arith.subi %add3A_161, %sub3A_162 : vector<8x1xi32>
    %jit3A_164 = arith.constant 256 : i32
    %div3A = vector.broadcast %jit3A_164 : i32 to vector<8x1xi32>
    %div3A_165 = arith.divsi %sub3A_163, %div3A : vector<8x1xi32>
    %sign3A = arith.constant 0 : i32
    %sign3A_166 = vector.broadcast %sign3A : i32 to vector<8x1xi32>
    %sign3A_167 = arith.cmpi sgt, %sub3A_163, %sign3A_166 : vector<8x1xi32>
    %sign3A_168 = arith.extui %sign3A_167 : vector<8x1xi1> to vector<8x1xi32>
    %sign3A_169 = arith.constant 0 : i32
    %sign3A_170 = vector.broadcast %sign3A_169 : i32 to vector<8x1xi32>
    %sign3A_171 = arith.cmpi slt, %sub3A_163, %sign3A_170 : vector<8x1xi32>
    %sign3A_172 = arith.extui %sign3A_171 : vector<8x1xi1> to vector<8x1xi32>
    %sign3A_173 = arith.subi %sign3A_168, %sign3A_172 : vector<8x1xi32>
    %sign3A_174 = arith.constant 0 : i32
    %sign3A_175 = arith.cmpi sgt, %jit3A_164, %sign3A_174 : i32
    %sign3A_176 = arith.extui %sign3A_175 : i1 to i32
    %sign3A_177 = arith.constant 0 : i32
    %sign3A_178 = arith.cmpi slt, %jit3A_164, %sign3A_177 : i32
    %sign3A_179 = arith.extui %sign3A_178 : i1 to i32
    %sign3A_180 = arith.subi %sign3A_176, %sign3A_179 : i32
    %ne3A = vector.broadcast %sign3A_180 : i32 to vector<8x1xi32>
    %ne3A_181 = arith.cmpi ne, %sign3A_173, %ne3A : vector<8x1xi32>
    %rem3A = vector.broadcast %jit3A_164 : i32 to vector<8x1xi32>
    %rem3A_182 = arith.remsi %sub3A_163, %rem3A : vector<8x1xi32>
    %ne3A_183 = arith.constant 0 : i32
    %ne3A_184 = vector.broadcast %ne3A_183 : i32 to vector<8x1xi32>
    %ne3A_185 = arith.cmpi ne, %rem3A_182, %ne3A_184 : vector<8x1xi32>
    %and3A = arith.andi %ne3A_181, %ne3A_185 : vector<8x1xi1>
    %sub3A_186 = arith.constant 1 : i32
    %sub3A_187 = vector.broadcast %sub3A_186 : i32 to vector<8x1xi32>
    %sub3A_188 = arith.subi %div3A_165, %sub3A_187 : vector<8x1xi32>
    %select_n3A_189 = arith.select %and3A, %sub3A_188, %div3A_165 : vector<8x1xi1>, vector<8x1xi32>
    %mul3A = arith.constant 256 : i32
    %mul3A_190 = vector.broadcast %mul3A : i32 to vector<8x1xi32>
    %mul3A_191 = arith.muli %select_n3A_189, %mul3A_190 : vector<8x1xi32>
    %broadcast_in_dim3A_192 = arith.constant 0 : i32
    %broadcast_in_dim3A_193 = vector.broadcast %broadcast_in_dim3A_192 : i32 to vector<1x1xi32>
    %slice3A_194 = vector.extract_strided_slice %mul3A_191 {offsets = [0, 0], sizes = [1, 1], strides = [1, 1]} : vector<8x1xi32> to vector<1x1xi32>
    %add3A_195 = arith.addi %broadcast_in_dim3A_193, %slice3A_194 : vector<1x1xi32>
    %slice3A_196 = vector.extract_strided_slice %mul3A_191 {offsets = [1, 0], sizes = [1, 1], strides = [1, 1]} : vector<8x1xi32> to vector<1x1xi32>
    %add3A_197 = arith.addi %add3A_195, %slice3A_196 : vector<1x1xi32>
    %slice3A_198 = vector.extract_strided_slice %mul3A_191 {offsets = [2, 0], sizes = [1, 1], strides = [1, 1]} : vector<8x1xi32> to vector<1x1xi32>
    %add3A_199 = arith.addi %add3A_197, %slice3A_198 : vector<1x1xi32>
    %slice3A_200 = vector.extract_strided_slice %mul3A_191 {offsets = [3, 0], sizes = [1, 1], strides = [1, 1]} : vector<8x1xi32> to vector<1x1xi32>
    %add3A_201 = arith.addi %add3A_199, %slice3A_200 : vector<1x1xi32>
    %slice3A_202 = vector.extract_strided_slice %mul3A_191 {offsets = [4, 0], sizes = [1, 1], strides = [1, 1]} : vector<8x1xi32> to vector<1x1xi32>
    %add3A_203 = arith.addi %add3A_201, %slice3A_202 : vector<1x1xi32>
    %slice3A_204 = vector.extract_strided_slice %mul3A_191 {offsets = [5, 0], sizes = [1, 1], strides = [1, 1]} : vector<8x1xi32> to vector<1x1xi32>
    %add3A_205 = arith.addi %add3A_203, %slice3A_204 : vector<1x1xi32>
    %slice3A_206 = vector.extract_strided_slice %mul3A_191 {offsets = [6, 0], sizes = [1, 1], strides = [1, 1]} : vector<8x1xi32> to vector<1x1xi32>
    %add3A_207 = arith.addi %add3A_205, %slice3A_206 : vector<1x1xi32>
    %slice3A_208 = vector.extract_strided_slice %mul3A_191 {offsets = [7, 0], sizes = [1, 1], strides = [1, 1]} : vector<8x1xi32> to vector<1x1xi32>
    %add3A_209 = arith.addi %add3A_207, %slice3A_208 : vector<1x1xi32>
    %concatenate3A_210 = tpu.concatenate %broadcast_in_dim3A_193, %add3A_195, %add3A_197, %add3A_199, %add3A_201, %add3A_203, %add3A_205, %add3A_207 in 0 : vector<1x1xi32>, vector<1x1xi32>, vector<1x1xi32>, vector<1x1xi32>, vector<1x1xi32>, vector<1x1xi32>, vector<1x1xi32>, vector<1x1xi32> -> vector<8x1xi32>
    %mul3A_211 = arith.muli %convert_element_type3A_156, %convert_element_type3A_157 : vector<8x4096xi32>
    %reduce_sum3A_212 = arith.constant dense<0> : vector<4096xi32>
    %reduce_sum3A_213 = vector.multi_reduction <add>, %mul3A_211, %reduce_sum3A_212 [0] : vector<8x4096xi32> to vector<4096xi32>
    %broadcast_in_dim3A_214 = vector.shape_cast %reduce_sum3A_213 : vector<4096xi32> to vector<1x4096xi32>
    %sub3A_215 = arith.constant 1 : i32
    %sub3A_216 = vector.broadcast %sub3A_215 : i32 to vector<1x4096xi32>
    %sub3A_217 = arith.subi %broadcast_in_dim3A_214, %sub3A_216 : vector<1x4096xi32>
    %mul3A_218 = vector.broadcast %concatenate3A_210 : vector<8x1xi32> to vector<8x4096xi32>
    %mul3A_219 = arith.muli %convert_element_type3A_156, %mul3A_218 : vector<8x4096xi32>
    %reduce_sum3A_220 = arith.constant dense<0> : vector<4096xi32>
    %reduce_sum3A_221 = vector.multi_reduction <add>, %mul3A_219, %reduce_sum3A_220 [0] : vector<8x4096xi32> to vector<4096xi32>
    %broadcast_in_dim3A_222 = vector.shape_cast %reduce_sum3A_221 : vector<4096xi32> to vector<1x4096xi32>
    %add3A_223 = arith.addi %broadcast_in_dim3A_222, %sub3A_217 : vector<1x4096xi32>
    %swap3A = arith.constant 0 : index
    %swap3A_224 = arith.constant 0 : index
    %swap3A_225 = vector.load %arg1[%swap3A, %swap3A_224] : memref<1x4096xi32, #tpu.memory_space<vmem>>, vector<1x4096xi32>
    tpu.vector_store %arg1[%swap3A, %swap3A_224], %add3A_223 {strides = array<i32>} : memref<1x4096xi32, #tpu.memory_space<vmem>>, vector<1x4096xi32>,
    %iota3A_226 = tpu.iota {dimensions = array<i32: 1>} : vector<1x32xi32>
    %mul3A_227 = arith.constant 256 : i32
    %mul3A_228 = vector.broadcast %mul3A_227 : i32 to vector<1x32xi32>
    %mul3A_229 = arith.muli %iota3A_226, %mul3A_228 : vector<1x32xi32>
    %broadcast_in_dim3A_230 = arith.constant 0 : i32
    %broadcast_in_dim3A_231 = vector.broadcast %broadcast_in_dim3A_230 : i32 to vector<1x32xi32>
    %slice3A_232 = vector.extract_strided_slice %concatenate3A_210 {offsets = [0, 0], sizes = [1, 1], strides = [1, 1]} : vector<8x1xi32> to vector<1x1xi32>
    %squeeze3A = vector.extract %slice3A_232[0, 0] : i32 from vector<1x1xi32>
    %ge3A_233 = vector.broadcast %squeeze3A : i32 to vector<1x32xi32>
    %ge3A_234 = arith.cmpi sge, %mul3A_229, %ge3A_233 : vector<1x32xi32>
    %convert_element_type3A_235 = arith.extui %ge3A_234 : vector<1x32xi1> to vector<1x32xi32>
    %add3A_236 = arith.addi %broadcast_in_dim3A_231, %convert_element_type3A_235 : vector<1x32xi32>
    %slice3A_237 = vector.extract_strided_slice %concatenate3A_210 {offsets = [1, 0], sizes = [1, 1], strides = [1, 1]} : vector<8x1xi32> to vector<1x1xi32>
    %squeeze3A_238 = vector.extract %slice3A_237[0, 0] : i32 from vector<1x1xi32>
    %ge3A_239 = vector.broadcast %squeeze3A_238 : i32 to vector<1x32xi32>
    %ge3A_240 = arith.cmpi sge, %mul3A_229, %ge3A_239 : vector<1x32xi32>
    %convert_element_type3A_241 = arith.extui %ge3A_240 : vector<1x32xi1> to vector<1x32xi32>
    %add3A_242 = arith.addi %add3A_236, %convert_element_type3A_241 : vector<1x32xi32>
    %slice3A_243 = vector.extract_strided_slice %concatenate3A_210 {offsets = [2, 0], sizes = [1, 1], strides = [1, 1]} : vector<8x1xi32> to vector<1x1xi32>
    %squeeze3A_244 = vector.extract %slice3A_243[0, 0] : i32 from vector<1x1xi32>
    %ge3A_245 = vector.broadcast %squeeze3A_244 : i32 to vector<1x32xi32>
    %ge3A_246 = arith.cmpi sge, %mul3A_229, %ge3A_245 : vector<1x32xi32>
    %convert_element_type3A_247 = arith.extui %ge3A_246 : vector<1x32xi1> to vector<1x32xi32>
    %add3A_248 = arith.addi %add3A_242, %convert_element_type3A_247 : vector<1x32xi32>
    %slice3A_249 = vector.extract_strided_slice %concatenate3A_210 {offsets = [3, 0], sizes = [1, 1], strides = [1, 1]} : vector<8x1xi32> to vector<1x1xi32>
    %squeeze3A_250 = vector.extract %slice3A_249[0, 0] : i32 from vector<1x1xi32>
    %ge3A_251 = vector.broadcast %squeeze3A_250 : i32 to vector<1x32xi32>
    %ge3A_252 = arith.cmpi sge, %mul3A_229, %ge3A_251 : vector<1x32xi32>
    %convert_element_type3A_253 = arith.extui %ge3A_252 : vector<1x32xi1> to vector<1x32xi32>
    %add3A_254 = arith.addi %add3A_248, %convert_element_type3A_253 : vector<1x32xi32>
    %slice3A_255 = vector.extract_strided_slice %concatenate3A_210 {offsets = [4, 0], sizes = [1, 1], strides = [1, 1]} : vector<8x1xi32> to vector<1x1xi32>
    %squeeze3A_256 = vector.extract %slice3A_255[0, 0] : i32 from vector<1x1xi32>
    %ge3A_257 = vector.broadcast %squeeze3A_256 : i32 to vector<1x32xi32>
    %ge3A_258 = arith.cmpi sge, %mul3A_229, %ge3A_257 : vector<1x32xi32>
    %convert_element_type3A_259 = arith.extui %ge3A_258 : vector<1x32xi1> to vector<1x32xi32>
    %add3A_260 = arith.addi %add3A_254, %convert_element_type3A_259 : vector<1x32xi32>
    %slice3A_261 = vector.extract_strided_slice %concatenate3A_210 {offsets = [5, 0], sizes = [1, 1], strides = [1, 1]} : vector<8x1xi32> to vector<1x1xi32>
    %squeeze3A_262 = vector.extract %slice3A_261[0, 0] : i32 from vector<1x1xi32>
    %ge3A_263 = vector.broadcast %squeeze3A_262 : i32 to vector<1x32xi32>
    %ge3A_264 = arith.cmpi sge, %mul3A_229, %ge3A_263 : vector<1x32xi32>
    %convert_element_type3A_265 = arith.extui %ge3A_264 : vector<1x32xi1> to vector<1x32xi32>
    %add3A_266 = arith.addi %add3A_260, %convert_element_type3A_265 : vector<1x32xi32>
    %slice3A_267 = vector.extract_strided_slice %concatenate3A_210 {offsets = [6, 0], sizes = [1, 1], strides = [1, 1]} : vector<8x1xi32> to vector<1x1xi32>
    %squeeze3A_268 = vector.extract %slice3A_267[0, 0] : i32 from vector<1x1xi32>
    %ge3A_269 = vector.broadcast %squeeze3A_268 : i32 to vector<1x32xi32>
    %ge3A_270 = arith.cmpi sge, %mul3A_229, %ge3A_269 : vector<1x32xi32>
    %convert_element_type3A_271 = arith.extui %ge3A_270 : vector<1x32xi1> to vector<1x32xi32>
    %add3A_272 = arith.addi %add3A_266, %convert_element_type3A_271 : vector<1x32xi32>
    %slice3A_273 = vector.extract_strided_slice %concatenate3A_210 {offsets = [7, 0], sizes = [1, 1], strides = [1, 1]} : vector<8x1xi32> to vector<1x1xi32>
    %squeeze3A_274 = vector.extract %slice3A_273[0, 0] : i32 from vector<1x1xi32>
    %ge3A_275 = vector.broadcast %squeeze3A_274 : i32 to vector<1x32xi32>
    %ge3A_276 = arith.cmpi sge, %mul3A_229, %ge3A_275 : vector<1x32xi32>
    %convert_element_type3A_277 = arith.extui %ge3A_276 : vector<1x32xi1> to vector<1x32xi32>
    %add3A_278 = arith.addi %add3A_272, %convert_element_type3A_277 : vector<1x32xi32>
    %sub3A_279 = arith.constant 1 : i32
    %sub3A_280 = vector.broadcast %sub3A_279 : i32 to vector<1x32xi32>
    %sub3A_281 = arith.subi %add3A_278, %sub3A_280 : vector<1x32xi32>
    %add3A_282 = arith.constant 1024 : i32
    %add3A_283 = vector.broadcast %add3A_282 : i32 to vector<1x1xi32>
    %add3A_284 = arith.addi %add3A_209, %add3A_283 : vector<1x1xi32>
    %sub3A_285 = arith.constant 1 : i32
    %sub3A_286 = vector.broadcast %sub3A_285 : i32 to vector<1x1xi32>
    %sub3A_287 = arith.subi %add3A_284, %sub3A_286 : vector<1x1xi32>
    %jit3A_288 = arith.constant 1024 : i32
    %div3A_289 = vector.broadcast %jit3A_288 : i32 to vector<1x1xi32>
    %div3A_290 = arith.divsi %sub3A_287, %div3A_289 : vector<1x1xi32>
    %sign3A_291 = arith.constant 0 : i32
    %sign3A_292 = vector.broadcast %sign3A_291 : i32 to vector<1x1xi32>
    %sign3A_293 = arith.cmpi sgt, %sub3A_287, %sign3A_292 : vector<1x1xi32>
    %sign3A_294 = arith.extui %sign3A_293 : vector<1x1xi1> to vector<1x1xi32>
    %sign3A_295 = arith.constant 0 : i32
    %sign3A_296 = vector.broadcast %sign3A_295 : i32 to vector<1x1xi32>
    %sign3A_297 = arith.cmpi slt, %sub3A_287, %sign3A_296 : vector<1x1xi32>
    %sign3A_298 = arith.extui %sign3A_297 : vector<1x1xi1> to vector<1x1xi32>
    %sign3A_299 = arith.subi %sign3A_294, %sign3A_298 : vector<1x1xi32>
    %sign3A_300 = arith.constant 0 : i32
    %sign3A_301 = arith.cmpi sgt, %jit3A_288, %sign3A_300 : i32
    %sign3A_302 = arith.extui %sign3A_301 : i1 to i32
    %sign3A_303 = arith.constant 0 : i32
    %sign3A_304 = arith.cmpi slt, %jit3A_288, %sign3A_303 : i32
    %sign3A_305 = arith.extui %sign3A_304 : i1 to i32
    %sign3A_306 = arith.subi %sign3A_302, %sign3A_305 : i32
    %ne3A_307 = vector.broadcast %sign3A_306 : i32 to vector<1x1xi32>
    %ne3A_308 = arith.cmpi ne, %sign3A_299, %ne3A_307 : vector<1x1xi32>
    %rem3A_309 = vector.broadcast %jit3A_288 : i32 to vector<1x1xi32>
    %rem3A_310 = arith.remsi %sub3A_287, %rem3A_309 : vector<1x1xi32>
    %ne3A_311 = arith.constant 0 : i32
    %ne3A_312 = vector.broadcast %ne3A_311 : i32 to vector<1x1xi32>
    %ne3A_313 = arith.cmpi ne, %rem3A_310, %ne3A_312 : vector<1x1xi32>
    %and3A_314 = arith.andi %ne3A_308, %ne3A_313 : vector<1x1xi1>
    %sub3A_315 = arith.constant 1 : i32
    %sub3A_316 = vector.broadcast %sub3A_315 : i32 to vector<1x1xi32>
    %sub3A_317 = arith.subi %div3A_290, %sub3A_316 : vector<1x1xi32>
    %select_n3A_318 = arith.select %and3A_314, %sub3A_317, %div3A_290 : vector<1x1xi1>, vector<1x1xi32>
    %iota3A_319 = tpu.iota {dimensions = array<i32: 1>} : vector<1x32xi32>
    %sub3A_320 = arith.constant 1 : i32
    %sub3A_321 = vector.broadcast %sub3A_320 : i32 to vector<1x1xi32>
    %sub3A_322 = arith.subi %select_n3A_318, %sub3A_321 : vector<1x1xi32>
    %min3A = vector.broadcast %sub3A_322 : vector<1x1xi32> to vector<1x32xi32>
    %min3A_323 = arith.minsi %iota3A_319, %min3A : vector<1x32xi32>
    %min3A_324 = vector.broadcast %select_n3A_318 : vector<1x1xi32> to vector<1x32xi32>
    %min3A_325 = arith.minsi %iota3A_319, %min3A_324 : vector<1x32xi32>
    %concatenate3A_326 = tpu.concatenate %sub3A_281, %min3A_323, %min3A_325, %sub3A_281 in 0 : vector<1x32xi32>, vector<1x32xi32>, vector<1x32xi32>, vector<1x32xi32> -> vector<4x32xi32>
    %swap3A_327 = arith.constant 0 : index
    %swap3A_328 = arith.constant 0 : index
    %swap3A_329 = vector.load %arg2[%swap3A_327, %swap3A_328] : memref<4x32xi32, #tpu.memory_space<vmem>>, vector<4x32xi32>
    tpu.vector_store %arg2[%swap3A_327, %swap3A_328], %concatenate3A_326 {strides = array<i32>} : memref<4x32xi32, #tpu.memory_space<vmem>>, vector<4x32xi32>,
    return
  }
}

</mosaic_0001>

<sc_bundles>
// kernel: kernel.6.cloned.1.call-start
scs
__scs_entry_jumppad:
0x0: {  	(pc) =	sbr.rel $0x88, $3  }
0x1: {  	(tag) =	ssettag $0x0;
	lr =	simm.s32 $0x1  }
0x2: {  	[smem:$0x3F9D] =	sst lr;
	_ =	strace $0xD0000000  }
0x3: {  	_ = 	snop  }
0x4: {  	_ = 	snop  }
0x5: {  	_ = 	snop  }
0x6: {  	_ = 	snop  }
0x7: {  	_ = 	snop  }
__scs_overlays_trampoline_lowered:
0x8: {  	[smem:$0x3FAC] =	sst s0  }
0x9: {  	[smem:$0x3FAD] =	sst s1  }
0xa: {  	[smem:$0x3FAE] =	sst s2  }
0xb: {  	[smem:$0x3FAF] =	sst s3  }
0xc: {  	[smem:$0x3FB0] =	sst s4  }
0xd: {  	[smem:$0x3FB1] =	sst s5  }
0xe: {  	[smem:$0x3FB2] =	sst s6  }
0xf: {  	[smem:$0x3FB3] =	sst s7  }
0x10: {  	[smem:$0x3FB4] =	sst s8  }
0x11: {  	[smem:$0x3FB5] =	sst s9;
	s0 =	simm.s32 @!p0 $0x0  }
0x12: {  	s1 =	sld [smem:$0x3F9B];
	s0 =	simm.s32 @p0 $0x1  }
0x13: {  	[smem:$0x3FB6] =	sst s0;
	s0 =	simm.s32 @!p1 $0x0  }
0x14: {  	s2 =	sld [smem:$0x3F9A];
	s0 =	simm.s32 @p1 $0x1  }
0x15: {  	[smem:$0x3FB7] =	sst s0;
	s0 =	simm.s32 @!p2 $0x0  }
0x16: {  	s3 =	sld [smem:$0x3FDB];
	s0 =	simm.s32 @p2 $0x1  }
0x17: {  	s4 =	simm.s32 $0x1BF5;
	[smem:$0x3FB9] =	sst s0  }
0x18: {  	s0 =	sld [smem:$0x3F9C];
	_ =	swait.ge [sflag:s4], $0x0  }
0x19: {  	s7 =	sld [smem:$0x3F9D]  }
0x1a: {  	s8 =	sadd.s32 $0xFFFFE003, lr  }
0x1b: {  	s9 =	sadd.s32 $0xFFFFFEF7, lr;
	s5 =	simm.s32 $0xFFFFFFFF;
	p2 =	slt.u32 s8, $0xFFFFF086  }
0x1c: {  	p1 =	slt.u32 s9, $0xF7A;
	s5 =	simm.s32 @!p2 $0x0  }
0x1d: {  	s5 =	simm.s32 @p1 $0x1;
	p0 =	seq.s32 s7, s2  }
0x1e: {  	s7 =	smul.u32 @!p0 $0xF7A, s2;
	p2 =	seq.s32 @!p0 s5, $0x0  }
0x1f: {  	s9 =	smul.u32 $0xF7A, s1;
	s8 =	simm.s32 @!p0 $0x1BF5;
	p2 =	por !p2, p0  }
0x20: {  	[sflag:s8] =	ssyncset.s32 @!p0 $0xFFFFF086;
	s6 =	sadd.s32 @!p0 s3, s7;
	s7 =	simm.s32 @!p0 $0x108  }
0x21: {  	s3 =	sadd.s32 s3, s9;
	s6 =	sadd.s32 @!p0 $0x88, s6;
	s7 =	simm.s32 @p2 $0x1082  }
0x22: {  	[simem:s7], [sflag:s8] =	dma.local @!p0 [hbm:s6], $0xF7A  }
0x23: {  	s9 =	sor.u32 $0xD0000000, s2;
	s6 =	simm.s32 $0x108;
	_ =	swait.ge @!p0 [sflag:s8], $0x0  }
0x24: {  	s3 =	sadd.s32 $0x88, s3;
	s6 =	simm.s32 @!p1 $0x1082;
	[sflag:s4] =	ssyncset.s32 $0xFFFFF086  }
0x25: {  	[simem:s6], [sflag:s4] =	dma.local [hbm:s3], $0xF7A  }
0x26: {  	[smem:$0x3F9D] =	sst s1;
	(tag) =	ssettag s2;
	_ =	strace s9  }
0x27: {  	s1 =	sld [smem:$0x3FAD]  }
0x28: {  	s2 =	sld [smem:$0x3FAE]  }
0x29: {  	s4 =	sld [smem:$0x3FB0]  }
0x2a: {  	p0 =	seq.s32 s5, $0x0;
	s5 =	sld [smem:$0x3FB1]  }
0x2b: {  	s6 =	sld [smem:$0x3FB2]  }
0x2c: {  	s7 =	sld [smem:$0x3FB3]  }
0x2d: {  	s3 =	simm.s32 $0x108;
	s8 =	sld [smem:$0x3FB4]  }
0x2e: {  	s3 =	simm.s32 @!p0 $0x1082;
	s9 =	sld [smem:$0x3FB5]  }
0x2f: {  	lr =	sadd.s32 s0, s3;
	s0 =	sld [smem:$0x3FAC]  }
0x30: {  	s3 =	sld [smem:$0x3FAF]  }
0x31: {  	[smem:$0x3FB8] =	sst s10  }
0x32: {  	s10 =	sld [smem:$0x3FB6];
	_ =	sdelay $0x3  }
0x33: {  	p0 =	seq.s32 s10, $0x1;
	s10 =	sld [smem:$0x3FB8];
	_ =	sdelay $0x3  }
0x34: {  	[smem:$0x3FB8] =	sst s10  }
0x35: {  	s10 =	sld [smem:$0x3FB7];
	_ =	sdelay $0x3  }
0x36: {  	p1 =	seq.s32 s10, $0x1;
	s10 =	sld [smem:$0x3FB8];
	_ =	sdelay $0x3  }
0x37: {  	[smem:$0x3FB8] =	sst s10  }
0x38: {  	s10 =	sld [smem:$0x3FB9]  }
0x39: {  	_ = 	snop;
	(pc) =	sbr.ind lr, $3  }
0x3a: {  	_ = 	snop  }
0x3b: {  	_ = 	snop  }
0x3c: {  	p2 =	seq.s32 s10, $0x1;
	s10 =	sld [smem:$0x3FB8]  }
0x3d: {  	_ =	shalt  }
0x3e: {  	_ =	shalt  }
0x3f: {  	_ =	shalt  }
0x40: {  	_ =	shalt  }
0x41: {  	_ =	shalt  }
0x42: {  	_ =	shalt  }
0x43: {  	_ =	shalt  }
0x44: {  	_ =	shalt  }
0x45: {  	_ =	shalt  }
0x46: {  	_ =	shalt  }
0x47: {  	_ =	shalt  }
0x48: {  	_ =	shalt  }
0x49: {  	_ =	shalt  }
0x4a: {  	_ =	shalt  }
0x4b: {  	_ =	shalt  }
0x4c: {  	_ =	shalt  }
0x4d: {  	_ =	shalt  }
0x4e: {  	_ =	shalt  }
0x4f: {  	_ =	shalt  }
0x50: {  	_ =	shalt  }
0x51: {  	_ =	shalt  }
0x52: {  	_ =	shalt  }
0x53: {  	_ =	shalt  }
0x54: {  	_ =	shalt  }
0x55: {  	_ =	shalt  }
0x56: {  	_ =	shalt  }
0x57: {  	_ =	shalt  }
0x58: {  	_ =	shalt  }
0x59: {  	_ =	shalt  }
0x5a: {  	_ =	shalt  }
0x5b: {  	_ =	shalt  }
0x5c: {  	_ =	shalt  }
0x5d: {  	_ =	shalt  }
0x5e: {  	_ =	shalt  }
0x5f: {  	_ =	shalt  }
0x60: {  	_ =	shalt  }
0x61: {  	_ =	shalt  }
0x62: {  	_ =	shalt  }
0x63: {  	_ =	shalt  }
0x64: {  	_ =	shalt  }
0x65: {  	_ =	shalt  }
0x66: {  	_ =	shalt  }
0x67: {  	_ =	shalt  }
0x68: {  	_ =	shalt  }
0x69: {  	_ =	shalt  }
0x6a: {  	_ =	shalt  }
0x6b: {  	_ =	shalt  }
0x6c: {  	_ =	shalt  }
0x6d: {  	_ =	shalt  }
0x6e: {  	_ =	shalt  }
0x6f: {  	_ =	shalt  }
0x70: {  	_ =	shalt  }
0x71: {  	_ =	shalt  }
0x72: {  	_ =	shalt  }
0x73: {  	_ =	shalt  }
0x74: {  	_ =	shalt  }
0x75: {  	_ =	shalt  }
0x76: {  	_ =	shalt  }
0x77: {  	_ =	shalt  }
0x78: {  	_ =	shalt  }
0x79: {  	_ =	shalt  }
0x7a: {  	_ =	shalt  }
0x7b: {  	_ =	shalt  }
0x7c: {  	_ =	shalt  }
0x7d: {  	_ =	shalt  }
0x7e: {  	_ =	shalt  }
0x7f: {  	_ =	shalt  }
0x80: {  	_ =	shalt  }
0x81: {  	_ =	shalt  }
0x82: {  	_ =	shalt  }
0x83: {  	_ =	shalt  }
0x84: {  	_ =	shalt  }
0x85: {  	_ =	shalt  }
0x86: {  	_ =	shalt  }
0x87: {  	_ =	shalt  }
.Lfunc_end0:
.L_simem_size_0:
called_computation_lowered:
.L_overlay_start_0:
0x88: {  	s2 =	sld [smem:$0x3FD9]  }
0x89: {  	s3 =	sld [smem:$0x3FFE];
	_ =	sdelay $0x1  }
0x8a: {  	s1 =	srdreg.scid  }
0x8b: {  	s0 =	sand.u32 $0x1, s1  }
0x8c: {  	s17 =	sshll.u32 s0, $0xA;
	s2 =	sadd.s32 s3, s2  }
0x8d: {  	s2 =	sadd.s32 s2, s17  }
0x8e: {  	[smem:$0x3FC4] =	sst s2  }
0x8f: {  	_ = 	snop  }
0x90: {  	s2 =	sld [smem:$0x3FC9];
	(tm) =	ssettm $0x1  }
0x91: {  	s18 =	sld [smem:$0x3FFB];
	_ =	sdelay $0x3  }
0x92: {  	_ =	strace s18  }
0x93: {  	s3 =	sld [smem:$0x3FFC];
	_ =	sdelay $0x3  }
0x94: {  	_ =	strace s3  }
0x95: {  	s3 =	sld [smem:$0x3FFD];
	_ =	sdelay $0x3  }
0x96: {  	_ =	strace s3  }
0x97: {  	_ =	strace $0x8FFFFFFF  }
0x98: {  	s19 =	sld [smem:$0x3FDB];
	_ =	sdelay $0x1  }
0x99: {  	s4 =	simm.s32 $_scs_section_size  }
0x9a: {  	s5 =	simm.s32 $_size__tile_overlayer_lowered;
	s6 =	simm.s32 $_tile_overlayer_lowered  }
0x9b: {  	s22 =	simm.s32 $0x1BFF;
	s21 =	sshll.u32 s6, $0x1;
	s3 =	sadd.s32 s4, s19  }
0x9c: {  	s7 =	simm.s32 $0x0;
	s20 =	sshll.u32 s5, $0x1;
	s5 =	sadd.s32 s21, s3  }
0x9d: {  	[timem:s7], [sflag:s22] =	dma.local [hbm:s5], s20  }
0x9e: {  	_ =	swait.ge [sflag:s22], s20  }
0x9f: {  	s4 =	ssub.s32 $0x0, s20;
	[sflag:s22] =	ssyncset.done $0x0  }
0xa0: {  	[sflag:s22] =	ssyncadd.s32 s4;
	_ =	sdelay $0x1  }
0xa1: {  	s23 =	simm.s32 $0x1B8B  }
0xa2: {  	_ =	swait.ge [sflag:s23], $0x1  }
0xa3: {  	[sflag:s23] =	ssyncset.done $0x0  }
0xa4: {  	s25 =	simm.s32 $0x1B8E;
	s24 =	sld [smem:$0x3FFE];
	[sflag:s23] =	ssyncadd.s32 $0xFFFFFFFF  }
0xa5: {  	s26 =	simm.s32 $execute0_lowered;
	[smem:$0x3FD2] =	sst s25  }
0xa6: {  	s5 =	sshll.u32 s26, $0x1;
	_ =	strace $0x80000046;
	[dreg:$0x1] =	wrdreg $0xFFFFFFFF  }
0xa7: {  	s28 =	simm.s32 $_size_execute0_lowered;
	s3 =	sadd.s32 s3, s5;
	[dreg:$0x0] =	wrdreg $0x0  }
0xa8: {  	s5 =	sshll.u32 s28, $0x1;
	[dreg:$0x2] =	wrdreg s3  }
0xa9: {  	[dreg:$0x3] =	wrdreg s5  }
0xaa: {  	[dreg:$0x4] =	wrdreg $0xC0  }
0xab: {  	_ =	task [dreg:s7], $0x5FFFF  }
0xac: {  	[dreg:$0x1] =	wrdreg $0xFFFFFFFF  }
0xad: {  	[dreg:$0x0] =	wrdreg $0x60  }
0xae: {  	[dreg:$0x2] =	wrdreg s2  }
0xaf: {  	[dreg:$0x3] =	wrdreg s24  }
0xb0: {  	[dreg:$0x4] =	wrdreg $0x9  }
0xb1: {  	_ =	task.clear_ibuf [dreg:s7], $0x5FFFF;
	_ =	strace $0x90000046  }
0xb2: {  	s29 =	simm.s32 $0x9;
	_ =	strace $0x80000048  }
0xb3: {  	_ =	swait.ge [sflag:s29], $0x1  }
0xb4: {  	[sflag:s29] =	ssyncadd.s32 $0xFFFFFFFF  }
0xb5: {  	_ =	strace $0x90000048  }
0xb6: {  	_ =	sfence  }
0xb7: {  	s30 =	sld [smem:$0x0];
	_ =	sdelay $0x2  }
0xb8: {  	s31 =	sshll.u32 s1, $0xD;
	s1 =	sshrl.u32 s1, $0x2  }
0xb9: {  	s3 =	sand.u32 $0x4000, s31;
	s1 =	sadd.s32 s1, s30  }
0xba: {  	s0 =	sor.u32 s3, s0;
	s1 =	sshll.u32 s1, $0x11  }
0xbb: {  	s0 =	sor.u32 s1, s0  }
0xbc: {  	s0 =	sadd.s32 $0x8F2B, s0  }
0xbd: {  	[sflag:s0] =	ssyncadd.remote.s32 $0x1  }
0xbe: {  	_ =	sfence.sel $0xFFFF  }
0xbf: {  	[dreg:$0x0] =	wrdreg $0xFFFFFFFF;
	(pc) =	sbr.abs _section_cstart, $3  }
0xc0: {  	[dreg:$0x1] =	wrdreg $0xFFFFFFFF  }
0xc1: {  	_ =	task.clear_ibuf [dreg:s7], $0x2FFFF;
	_ =	strace $0x9FFFFFFF  }
0xc2: {  	(tm) =	ssettm $0x7FFFFFFF  }
0xc3: {  	_ =	shalt  }
tec
execute0_lowered:
.L_overlay_start_1:
0x0: {  	(tag) =	ssettag $0x1  }
0x1: {  	s1 =	srdreg.scid;
	s4 =	rddreg [dreg:$0x0]  }
0x2: {  	s2 =	simm.s32 $0x0;
	s5 =	sand.u32 $0x1, s1;
	s1 =	rddreg [dreg:$0x1]  }
0x3: {  	s18 =	simm.s32 $0x80;
	[smem:$0x7FF] =	sst s2  }
0x4: {  	s19 =	simm.s32 $0x100;
	_ =	strace $0x80000047;
	[dreg:$0xa] =	wrdreg s18  }
0x5: {  	s20 =	simm.s32 $0x180;
	[dreg:$0xb] =	wrdreg s19  }
0x6: {  	s21 =	simm.s32 $0xA00;
	[dreg:$0xc] =	wrdreg s20  }
0x7: {  	s22 =	simm.s32 $0x1200;
	[dreg:$0xd] =	wrdreg s21  }
0x8: {  	s23 =	simm.s32 $0x1A00;
	[dreg:$0xe] =	wrdreg s22  }
0x9: {  	s24 =	simm.s32 $0x2200;
	[dreg:$0xf] =	wrdreg s23  }
0xa: {  	s25 =	simm.s32 $0x2A00;
	[dreg:$0x10] =	wrdreg s24  }
0xb: {  	s0 =	stileid.u32;
	s26 =	simm.s32 $0x3200;
	[dreg:$0x11] =	wrdreg s25  }
0xc: {  	s3 =	sshll.u32 s0, $0x5;
	s0 =	simm.s32 $0x3A00;
	[dreg:$0x12] =	wrdreg s26  }
0xd: {  	s10 =	simm.s32 $0x6A00;
	[dreg:$0x13] =	wrdreg s0  }
0xe: {  	s11 =	simm.s32 $0x7200;
	[dreg:$0x18] =	wrdreg s10  }
0xf: {  	s12 =	simm.s32 $0x7A00;
	s28 =	simm.s32 $0x16200;
	[dreg:$0x19] =	wrdreg s11  }
0x10: {  	s29 =	simm.s32 $0x16A00;
	[dreg:$0x1a] =	wrdreg s12;
	s18 =	simm.s32 $0xA200  }
0x11: {  	s30 =	simm.s32 $0x17200;
	s19 =	simm.s32 $0xAA00;
	[dreg:$0x1f] =	wrdreg s18  }
0x12: {  	s31 =	simm.s32 $0x17A00;
	s20 =	simm.s32 $0xB200;
	[smem:$0x7F6] =	sst s19  }
0x13: {  	s6 =	sshll.u32 s5, $0x4;
	s21 =	simm.s32 $0xBA00;
	[smem:$0x7F7] =	sst s20  }
0x14: {  	s5 =	ssub.s32 $0x2, s5;
	s22 =	simm.s32 $0xCA00;
	[smem:$0x7F8] =	sst s21  }
0x15: {  	s23 =	simm.s32 $0xD200;
	s24 =	simm.s32 $0xDA00;
	[smem:$0x7F9] =	sst s22  }
0x16: {  	s10 =	simm.s32 $0xC200;
	s25 =	simm.s32 $0xE200;
	[smem:$0x7FA] =	sst s23  }
0x17: {  	s11 =	simm.s32 $0x12200;
	s26 =	simm.s32 $0xEA00;
	[smem:$0x7FB] =	sst s24  }
0x18: {  	s12 =	simm.s32 $0x1;
	s3 =	sor.u32 s6, s3;
	[smem:$0x7FC] =	sst s25  }
0x19: {  	[smem:$0x7FD] =	sst s26;
	s18 =	simm.s32 $0x11200;
	s19 =	simm.s32 $0x11A00  }
0x1a: {  	s20 =	simm.s32 $0x12A00;
	s21 =	simm.s32 $0x13200;
	s6 =	sadd.s32 s3, s1  }
0x1b: {  	s22 =	simm.s32 $0x13A00;
	s23 =	simm.s32 $0x14200;
	s7 =	sadd.s32 $0x1200, s6  }
0x1c: {  	s24 =	simm.s32 $0x14A00;
	s13 =	sadd.s32 $0x1204, s6;
	[dreg:$0x3] =	wrdreg s7  }
0x1d: {  	s25 =	simm.s32 $0x15200;
	s14 =	sadd.s32 $0x1208, s6;
	[dreg:$0x4] =	wrdreg s13  }
0x1e: {  	s26 =	simm.s32 $0x15A00;
	s6 =	sadd.s32 $0x120C, s6;
	[dreg:$0x5] =	wrdreg s14  }
0x1f: {  	s8 =	smul.u32 $0x300, s3;
	[dreg:$0x6] =	wrdreg s6;
	s6 =	simm.s32 $0x4200  }
0x20: {  	s9 =	smul.u32 $0x1800, s3;
	s7 =	simm.s32 $0x4A00;
	[dreg:$0x14] =	wrdreg s6  }
0x21: {  	s3 =	sadd.s32 s4, s8;
	s8 =	simm.s32 $0x5200;
	[dreg:$0x15] =	wrdreg s7  }
0x22: {  	s15 =	sshrl.u32 s9, $0x3;
	s9 =	simm.s32 $0x5A00;
	[dreg:$0x16] =	wrdreg s8  }
0x23: {  	s13 =	simm.s32 $0x8200;
	s14 =	simm.s32 $0x8A00;
	[dreg:$0x17] =	wrdreg s9  }
0x24: {  	s16 =	sadd.s32 $0xC00, s3;
	s4 =	sadd.s32 s4, s15;
	[dreg:$0x1b] =	wrdreg s13  }
0x25: {  	[dreg:$0x1c] =	wrdreg s14;
	s15 =	simm.s32 $0x9200;
	s6 =	sadd.s32 $0x1600, s1  }
0x26: {  	s8 =	simm.s32 $0x200;
	s9 =	simm.s32 $0x6200;
	[dreg:$0x7] =	wrdreg s16  }
0x27: {  	s13 =	simm.s32 $0x2;
	s17 =	sadd.s32 $0x1800, s4;
	[dreg:$0x1d] =	wrdreg s15  }
0x28: {  	s4 =	sadd.s32 $0x2400, s4;
	s16 =	simm.s32 $0x9A00;
	[dreg:$0x8] =	wrdreg s17  }
0x29: {  	v2 =	vlaneseq.u32;
	[dreg:$0x9] =	wrdreg s4;
	s4 =	sadd.s32 $0x1400, s1;
	s17 =	sshrl.u32 s5, $0x1  }
0x2a: {  	vm0 =	vmmov $0xffff;
	v1 =	vshrl.u32 v2, $0x3;
	[dreg:$0x1e] =	wrdreg s16;
	s7 =	ssub.s32 s5, s17;
	s5 =	sadd.s32 $0x1500, s1  }
0x2b: {  	v0 =	vand.u32 $0x7, v2;
	v2 =	vor.u32 $0x8, v2;
	v1 =	vmul.u32 $0x8, v1;
	s17 =	simm.s32 $0x10A00;
	s1 =	simm.s32 $0x3;
	s7 =	smax.u32 s7, $0x1  }
.LBB2_1:
0x2c: {  	s0 =	rddreg [dreg:$0x3]  }
0x2d: {  	s14 =	rddreg [dreg:$0x4]  }
0x2e: {  	s15 =	rddreg [dreg:$0xa]  }
0x2f: {  	s16 =	rddreg [dreg:$0xc]  }
0x30: {  	[tilespmem:s2], [sflag:$0x1] =	stream.linear.gather [hbm4b:s0+s2], $0x20, $0x38;
	[tilespmem:$0x18200] =	vst v63  }
0x31: {  	s0 =	rddreg [dreg:$0x5]  }
0x32: {  	[tilespmem:s15], [sflag:$0x1] =	stream.linear.gather [hbm4b:s14+s2], $0x20, $0x38;
	[tilespmem:$0x18200] =	vst v63  }
0x33: {  	s14 =	rddreg [dreg:$0xb]  }
0x34: {  	[tilespmem:s14], [sflag:$0x1] =	stream.linear.gather [hbm4b:s0+s2], $0x20, $0x38;
	[tilespmem:$0x18200] =	vst v63  }
0x35: {  	s15 =	rddreg [dreg:$0x6]  }
0x36: {  	[tilespmem:s16], [sflag:$0x1] =	stream.linear.gather [hbm4b:s15+s2], $0x20, $0x38;
	[tilespmem:$0x18200] =	vst v63  }
0x37: {  	_ = 	snop  }
0x38: {  	[tilespmem:s8], [sflag:$0x2] =	stream.linear.gather [hbm4b:s3+s2], $0x6000, $0x38;
	[tilespmem:$0x18200] =	vst v63  }
0x39: {  	s14 =	rddreg [dreg:$0x7]  }
0x3a: {  	[tilespmem:s9], [sflag:$0x2] =	stream.linear.gather [hbm4b:s14+s2], $0x6000, $0x38;
	[tilespmem:$0x18200] =	vst v63  }
0x3b: {  	s15 =	rddreg [dreg:$0x8]  }
0x3c: {  	[tilespmem:s10], [sflag:$0x2] =	stream.linear.gather [hbm4b:s15+s2], $0x6000, $0x38;
	[tilespmem:$0x18200] =	vst v63  }
0x3d: {  	s16 =	rddreg [dreg:$0x9]  }
0x3e: {  	[tilespmem:s11], [sflag:$0x2] =	stream.linear.gather [hbm4b:s16+s2], $0x6000, $0x38;
	[tilespmem:$0x18200] =	vst v63  }
0x3f: {  	_ =	swait.ge [sflag:s12], $0x20  }
0x40: {  	[sflag:s12] =	ssyncset.done $0x0  }
0x41: {  	[sflag:s12] =	ssyncadd.s32 $0xFFFFFFE0  }
0x42: {  	_ =	swait.ge [sflag:s13], $0x6000  }
0x43: {  	[sflag:s13] =	ssyncset.done $0x0  }
0x44: {  	[sflag:s13] =	ssyncadd.s32 $0xFFFFA000  }
0x45: {  	v3 =	vld [tilespmem:$0x0];
	_ =	sdelay $0x4  }
0x46: {  	v4 =	vshrl.u32 v3, $0x3  }
0x47: {  	v4 =	vmul.u32 $0x30, v4  }
0x48: {  	v3 =	vand.u32 $0x7, v3  }
0x49: {  	v3 =	vor.u32 v3, v4  }
0x4a: {  	v4 =	vperm.xlane v3, v0;
	_ =	sdelay $0x1  }
0x4b: {  	v4 =	vadd.s32 v1, v4;
	_ =	sdelay $0x3  }
0x4c: {  	v3 =	vperm.xlane v3, v2  }
0x4d: {  	[hbm4b:s4+s2] =	stream.indirect_vreg.scatter [tilespmem:s8], [sflag:$0x3], $0x80, v4, vm0, $0xb8;
	[tilespmem:$0x18200] =	vst v63  }
0x4e: {  	s14 =	rddreg [dreg:$0xd];
	v3 =	vadd.s32 v1, v3  }
0x4f: {  	[hbm4b:s5+s2] =	stream.indirect_vreg.scatter [tilespmem:s14], [sflag:$0x3], $0x80, v4, vm0, $0xb8;
	[tilespmem:$0x18200] =	vst v63  }
0x50: {  	s15 =	rddreg [dreg:$0xe]  }
0x51: {  	[hbm4b:s6+s2] =	stream.indirect_vreg.scatter [tilespmem:s15], [sflag:$0x3], $0x80, v4, vm0, $0xb8;
	[tilespmem:$0x18200] =	vst v63  }
0x52: {  	s16 =	rddreg [dreg:$0xf]  }
0x53: {  	[hbm4b:s4+s2] =	stream.indirect_vreg.scatter [tilespmem:s16], [sflag:$0x3], $0x80, v3, vm0, $0xb8;
	[tilespmem:$0x18200] =	vst v63  }
0x54: {  	s15 =	rddreg [dreg:$0x10]  }
0x55: {  	[hbm4b:s5+s2] =	stream.indirect_vreg.scatter [tilespmem:s15], [sflag:$0x3], $0x80, v3, vm0, $0xb8;
	[tilespmem:$0x18200] =	vst v63  }
0x56: {  	s16 =	rddreg [dreg:$0x11]  }
0x57: {  	[hbm4b:s6+s2] =	stream.indirect_vreg.scatter [tilespmem:s16], [sflag:$0x3], $0x80, v3, vm0, $0xb8;
	[tilespmem:$0x18200] =	vst v63  }
0x58: {  	v3 =	vld [tilespmem:$0x10];
	_ =	sdelay $0x4  }
0x59: {  	v57 =	vshrl.u32 v3, $0x3  }
0x5a: {  	v4 =	vmul.u32 $0x30, v57  }
0x5b: {  	v3 =	vand.u32 $0x7, v3  }
0x5c: {  	v3 =	vor.u32 v3, v4  }
0x5d: {  	v4 =	vperm.xlane v3, v0;
	_ =	sdelay $0x1  }
0x5e: {  	v4 =	vadd.s32 v1, v4;
	_ =	sdelay $0x3  }
0x5f: {  	s15 =	rddreg [dreg:$0x12];
	v3 =	vperm.xlane v3, v2  }
0x60: {  	[hbm4b:s4+s2] =	stream.indirect_vreg.scatter [tilespmem:s15], [sflag:$0x3], $0x80, v4, vm0, $0xb8;
	[tilespmem:$0x18200] =	vst v63  }
0x61: {  	s16 =	rddreg [dreg:$0x13];
	v3 =	vadd.s32 v1, v3  }
0x62: {  	[hbm4b:s5+s2] =	stream.indirect_vreg.scatter [tilespmem:s16], [sflag:$0x3], $0x80, v4, vm0, $0xb8;
	[tilespmem:$0x18200] =	vst v63  }
0x63: {  	s15 =	rddreg [dreg:$0x14]  }
0x64: {  	[hbm4b:s6+s2] =	stream.indirect_vreg.scatter [tilespmem:s15], [sflag:$0x3], $0x80, v4, vm0, $0xb8;
	[tilespmem:$0x18200] =	vst v63  }
0x65: {  	s16 =	rddreg [dreg:$0x15]  }
0x66: {  	[hbm4b:s4+s2] =	stream.indirect_vreg.scatter [tilespmem:s16], [sflag:$0x3], $0x80, v3, vm0, $0xb8;
	[tilespmem:$0x18200] =	vst v63  }
0x67: {  	s15 =	rddreg [dreg:$0x16]  }
0x68: {  	[hbm4b:s5+s2] =	stream.indirect_vreg.scatter [tilespmem:s15], [sflag:$0x3], $0x80, v3, vm0, $0xb8;
	[tilespmem:$0x18200] =	vst v63  }
0x69: {  	s16 =	rddreg [dreg:$0x17]  }
0x6a: {  	[hbm4b:s6+s2] =	stream.indirect_vreg.scatter [tilespmem:s16], [sflag:$0x3], $0x80, v3, vm0, $0xb8;
	[tilespmem:$0x18200] =	vst v63  }
0x6b: {  	_ =	swait.ge [sflag:s12], $0x20  }
0x6c: {  	[sflag:s12] =	ssyncset.done $0x0  }
0x6d: {  	[sflag:s12] =	ssyncadd.s32 $0xFFFFFFE0  }
0x6e: {  	_ =	swait.ge [sflag:s13], $0x6000  }
0x6f: {  	[sflag:s13] =	ssyncset.done $0x0  }
0x70: {  	[sflag:s13] =	ssyncadd.s32 $0xFFFFA000  }
0x71: {  	v3 =	vld [tilespmem:$0x80];
	_ =	sdelay $0x4  }
0x72: {  	v58 =	vshrl.u32 v3, $0x3  }
0x73: {  	v4 =	vmul.u32 $0x30, v58  }
0x74: {  	v3 =	vand.u32 $0x7, v3  }
0x75: {  	v3 =	vor.u32 v3, v4  }
0x76: {  	v4 =	vperm.xlane v3, v0;
	_ =	sdelay $0x1  }
0x77: {  	v4 =	vadd.s32 v1, v4;
	_ =	sdelay $0x3  }
0x78: {  	v3 =	vperm.xlane v3, v2  }
0x79: {  	[hbm4b:s4+s2] =	stream.indirect_vreg.scatter [tilespmem:s9], [sflag:$0x3], $0x80, v4, vm0, $0xb8;
	[tilespmem:$0x18200] =	vst v63  }
0x7a: {  	s14 =	rddreg [dreg:$0x18];
	v3 =	vadd.s32 v1, v3  }
0x7b: {  	[hbm4b:s5+s2] =	stream.indirect_vreg.scatter [tilespmem:s14], [sflag:$0x3], $0x80, v4, vm0, $0xb8;
	[tilespmem:$0x18200] =	vst v63  }
0x7c: {  	s15 =	rddreg [dreg:$0x19]  }
0x7d: {  	[hbm4b:s6+s2] =	stream.indirect_vreg.scatter [tilespmem:s15], [sflag:$0x3], $0x80, v4, vm0, $0xb8;
	[tilespmem:$0x18200] =	vst v63  }
0x7e: {  	s16 =	rddreg [dreg:$0x1a]  }
0x7f: {  	[hbm4b:s4+s2] =	stream.indirect_vreg.scatter [tilespmem:s16], [sflag:$0x3], $0x80, v3, vm0, $0xb8;
	[tilespmem:$0x18200] =	vst v63  }
0x80: {  	s15 =	rddreg [dreg:$0x1b]  }
0x81: {  	[hbm4b:s5+s2] =	stream.indirect_vreg.scatter [tilespmem:s15], [sflag:$0x3], $0x80, v3, vm0, $0xb8;
	[tilespmem:$0x18200] =	vst v63  }
0x82: {  	s16 =	rddreg [dreg:$0x1c]  }
0x83: {  	[hbm4b:s6+s2] =	stream.indirect_vreg.scatter [tilespmem:s16], [sflag:$0x3], $0x80, v3, vm0, $0xb8;
	[tilespmem:$0x18200] =	vst v63  }
0x84: {  	v3 =	vld [tilespmem:$0x90];
	_ =	sdelay $0x4  }
0x85: {  	v59 =	vshrl.u32 v3, $0x3  }
0x86: {  	v4 =	vmul.u32 $0x30, v59  }
0x87: {  	v3 =	vand.u32 $0x7, v3  }
0x88: {  	v3 =	vor.u32 v3, v4  }
0x89: {  	v4 =	vperm.xlane v3, v0;
	_ =	sdelay $0x1  }
0x8a: {  	v4 =	vadd.s32 v1, v4;
	_ =	sdelay $0x2  }
0x8b: {  	s15 =	rddreg [dreg:$0x1d]  }
0x8c: {  	s16 =	rddreg [dreg:$0x1e];
	v3 =	vperm.xlane v3, v2  }
0x8d: {  	[hbm4b:s4+s2] =	stream.indirect_vreg.scatter [tilespmem:s15], [sflag:$0x3], $0x80, v4, vm0, $0xb8;
	[tilespmem:$0x18200] =	vst v63  }
0x8e: {  	v3 =	vadd.s32 v1, v3;
	s15 =	rddreg [dreg:$0x1f]  }
0x8f: {  	[hbm4b:s5+s2] =	stream.indirect_vreg.scatter [tilespmem:s16], [sflag:$0x3], $0x80, v4, vm0, $0xb8;
	[tilespmem:$0x18200] =	vst v63  }
0x90: {  	s16 =	sld [smem:$0x7F6]  }
0x91: {  	[hbm4b:s6+s2] =	stream.indirect_vreg.scatter [tilespmem:s15], [sflag:$0x3], $0x80, v4, vm0, $0xb8;
	[tilespmem:$0x18200] =	vst v63  }
0x92: {  	s15 =	sld [smem:$0x7F7]  }
0x93: {  	[hbm4b:s4+s2] =	stream.indirect_vreg.scatter [tilespmem:s16], [sflag:$0x3], $0x80, v3, vm0, $0xb8;
	[tilespmem:$0x18200] =	vst v63  }
0x94: {  	s16 =	sld [smem:$0x7F8]  }
0x95: {  	[hbm4b:s5+s2] =	stream.indirect_vreg.scatter [tilespmem:s15], [sflag:$0x3], $0x80, v3, vm0, $0xb8;
	[tilespmem:$0x18200] =	vst v63  }
0x96: {  	_ = 	snop  }
0x97: {  	[hbm4b:s6+s2] =	stream.indirect_vreg.scatter [tilespmem:s16], [sflag:$0x3], $0x80, v3, vm0, $0xb8;
	[tilespmem:$0x18200] =	vst v63  }
0x98: {  	_ =	swait.ge [sflag:s12], $0x20  }
0x99: {  	[sflag:s12] =	ssyncset.done $0x0  }
0x9a: {  	[sflag:s12] =	ssyncadd.s32 $0xFFFFFFE0  }
0x9b: {  	_ =	swait.ge [sflag:s13], $0x6000  }
0x9c: {  	[sflag:s13] =	ssyncset.done $0x0  }
0x9d: {  	[sflag:s13] =	ssyncadd.s32 $0xFFFFA000  }
0x9e: {  	v3 =	vld [tilespmem:$0x100];
	_ =	sdelay $0x4  }
0x9f: {  	v60 =	vshrl.u32 v3, $0x3  }
0xa0: {  	v4 =	vmul.u32 $0x30, v60  }
0xa1: {  	v3 =	vand.u32 $0x7, v3  }
0xa2: {  	v3 =	vor.u32 v3, v4  }
0xa3: {  	v4 =	vperm.xlane v3, v0;
	_ =	sdelay $0x1  }
0xa4: {  	v4 =	vadd.s32 v1, v4;
	_ =	sdelay $0x3  }
0xa5: {  	s14 =	sld [smem:$0x7F9];
	v3 =	vperm.xlane v3, v2  }
0xa6: {  	[hbm4b:s4+s2] =	stream.indirect_vreg.scatter [tilespmem:s10], [sflag:$0x3], $0x80, v4, vm0, $0xb8;
	[tilespmem:$0x18200] =	vst v63  }
0xa7: {  	s15 =	sld [smem:$0x7FA];
	v3 =	vadd.s32 v1, v3  }
0xa8: {  	[hbm4b:s5+s2] =	stream.indirect_vreg.scatter [tilespmem:s14], [sflag:$0x3], $0x80, v4, vm0, $0xb8;
	[tilespmem:$0x18200] =	vst v63  }
0xa9: {  	s16 =	sld [smem:$0x7FB]  }
0xaa: {  	[hbm4b:s6+s2] =	stream.indirect_vreg.scatter [tilespmem:s15], [sflag:$0x3], $0x80, v4, vm0, $0xb8;
	[tilespmem:$0x18200] =	vst v63  }
0xab: {  	s15 =	sld [smem:$0x7FC]  }
0xac: {  	[hbm4b:s4+s2] =	stream.indirect_vreg.scatter [tilespmem:s16], [sflag:$0x3], $0x80, v3, vm0, $0xb8;
	[tilespmem:$0x18200] =	vst v63  }
0xad: {  	s16 =	sld [smem:$0x7FD]  }
0xae: {  	[hbm4b:s5+s2] =	stream.indirect_vreg.scatter [tilespmem:s15], [sflag:$0x3], $0x80, v3, vm0, $0xb8;
	[tilespmem:$0x18200] =	vst v63  }
0xaf: {  	_ = 	snop  }
0xb0: {  	[hbm4b:s6+s2] =	stream.indirect_vreg.scatter [tilespmem:s16], [sflag:$0x3], $0x80, v3, vm0, $0xb8;
	[tilespmem:$0x18200] =	vst v63  }
0xb1: {  	v3 =	vld [tilespmem:$0x110];
	_ =	sdelay $0x4  }
0xb2: {  	v61 =	vshrl.u32 v3, $0x3  }
0xb3: {  	v4 =	vmul.u32 $0x30, v61  }
0xb4: {  	v3 =	vand.u32 $0x7, v3  }
0xb5: {  	v3 =	vor.u32 v3, v4  }
0xb6: {  	v4 =	vperm.xlane v3, v0;
	_ =	sdelay $0x1  }
0xb7: {  	v4 =	vadd.s32 v1, v4;
	_ =	sdelay $0x3  }
0xb8: {  	s14 =	simm.s32 $0xF200;
	v3 =	vperm.xlane v3, v2  }
0xb9: {  	[hbm4b:s4+s2] =	stream.indirect_vreg.scatter [tilespmem:s14], [sflag:$0x3], $0x80, v4, vm0, $0xb8;
	[tilespmem:$0x18200] =	vst v63  }
0xba: {  	s15 =	simm.s32 $0xFA00;
	v3 =	vadd.s32 v1, v3  }
0xbb: {  	[hbm4b:s5+s2] =	stream.indirect_vreg.scatter [tilespmem:s15], [sflag:$0x3], $0x80, v4, vm0, $0xb8;
	[tilespmem:$0x18200] =	vst v63  }
0xbc: {  	s16 =	simm.s32 $0x10200  }
0xbd: {  	[hbm4b:s6+s2] =	stream.indirect_vreg.scatter [tilespmem:s16], [sflag:$0x3], $0x80, v4, vm0, $0xb8;
	[tilespmem:$0x18200] =	vst v63  }
0xbe: {  	_ = 	snop  }
0xbf: {  	[hbm4b:s4+s2] =	stream.indirect_vreg.scatter [tilespmem:s17], [sflag:$0x3], $0x80, v3, vm0, $0xb8;
	[tilespmem:$0x18200] =	vst v63  }
0xc0: {  	_ = 	snop  }
0xc1: {  	[hbm4b:s5+s2] =	stream.indirect_vreg.scatter [tilespmem:s18], [sflag:$0x3], $0x80, v3, vm0, $0xb8;
	[tilespmem:$0x18200] =	vst v63  }
0xc2: {  	_ = 	snop  }
0xc3: {  	[hbm4b:s6+s2] =	stream.indirect_vreg.scatter [tilespmem:s19], [sflag:$0x3], $0x80, v3, vm0, $0xb8;
	[tilespmem:$0x18200] =	vst v63  }
0xc4: {  	_ =	swait.ge [sflag:s12], $0x20  }
0xc5: {  	[sflag:s12] =	ssyncset.done $0x0  }
0xc6: {  	[sflag:s12] =	ssyncadd.s32 $0xFFFFFFE0  }
0xc7: {  	_ =	swait.ge [sflag:s13], $0x6000  }
0xc8: {  	[sflag:s13] =	ssyncset.done $0x0  }
0xc9: {  	[sflag:s13] =	ssyncadd.s32 $0xFFFFA000  }
0xca: {  	v3 =	vld [tilespmem:$0x180];
	_ =	sdelay $0x4  }
0xcb: {  	v62 =	vshrl.u32 v3, $0x3  }
0xcc: {  	v4 =	vmul.u32 $0x30, v62  }
0xcd: {  	v3 =	vand.u32 $0x7, v3  }
0xce: {  	v3 =	vor.u32 v3, v4  }
0xcf: {  	v4 =	vperm.xlane v3, v0;
	_ =	sdelay $0x1  }
0xd0: {  	v4 =	vadd.s32 v1, v4;
	_ =	sdelay $0x3  }
0xd1: {  	v3 =	vperm.xlane v3, v2  }
0xd2: {  	[hbm4b:s4+s2] =	stream.indirect_vreg.scatter [tilespmem:s11], [sflag:$0x3], $0x80, v4, vm0, $0xb8;
	[tilespmem:$0x18200] =	vst v63  }
0xd3: {  	v3 =	vadd.s32 v1, v3  }
0xd4: {  	[hbm4b:s5+s2] =	stream.indirect_vreg.scatter [tilespmem:s20], [sflag:$0x3], $0x80, v4, vm0, $0xb8;
	[tilespmem:$0x18200] =	vst v63  }
0xd5: {  	_ = 	snop  }
0xd6: {  	[hbm4b:s6+s2] =	stream.indirect_vreg.scatter [tilespmem:s21], [sflag:$0x3], $0x80, v4, vm0, $0xb8;
	[tilespmem:$0x18200] =	vst v63  }
0xd7: {  	_ = 	snop  }
0xd8: {  	[hbm4b:s4+s2] =	stream.indirect_vreg.scatter [tilespmem:s22], [sflag:$0x3], $0x80, v3, vm0, $0xb8;
	[tilespmem:$0x18200] =	vst v63  }
0xd9: {  	_ = 	snop  }
0xda: {  	[hbm4b:s5+s2] =	stream.indirect_vreg.scatter [tilespmem:s23], [sflag:$0x3], $0x80, v3, vm0, $0xb8;
	[tilespmem:$0x18200] =	vst v63  }
0xdb: {  	_ = 	snop  }
0xdc: {  	[hbm4b:s6+s2] =	stream.indirect_vreg.scatter [tilespmem:s24], [sflag:$0x3], $0x80, v3, vm0, $0xb8;
	[tilespmem:$0x18200] =	vst v63  }
0xdd: {  	v3 =	vld [tilespmem:$0x190];
	_ =	sdelay $0x4  }
0xde: {  	v63 =	vshrl.u32 v3, $0x3  }
0xdf: {  	v4 =	vmul.u32 $0x30, v63  }
0xe0: {  	v3 =	vand.u32 $0x7, v3  }
0xe1: {  	v3 =	vor.u32 v3, v4  }
0xe2: {  	v4 =	vperm.xlane v3, v0;
	_ =	sdelay $0x1  }
0xe3: {  	v4 =	vadd.s32 v1, v4;
	_ =	sdelay $0x3  }
0xe4: {  	v3 =	vperm.xlane v3, v2  }
0xe5: {  	[hbm4b:s4+s2] =	stream.indirect_vreg.scatter [tilespmem:s25], [sflag:$0x3], $0x80, v4, vm0, $0xb8;
	[tilespmem:$0x18200] =	vst v63  }
0xe6: {  	v3 =	vadd.s32 v1, v3  }
0xe7: {  	[hbm4b:s5+s2] =	stream.indirect_vreg.scatter [tilespmem:s26], [sflag:$0x3], $0x80, v4, vm0, $0xb8;
	[tilespmem:$0x18200] =	vst v63  }
0xe8: {  	_ = 	snop  }
0xe9: {  	[hbm4b:s6+s2] =	stream.indirect_vreg.scatter [tilespmem:s28], [sflag:$0x3], $0x80, v4, vm0, $0xb8;
	[tilespmem:$0x18200] =	vst v63  }
0xea: {  	_ = 	snop  }
0xeb: {  	[hbm4b:s4+s2] =	stream.indirect_vreg.scatter [tilespmem:s29], [sflag:$0x3], $0x80, v3, vm0, $0xb8;
	[tilespmem:$0x18200] =	vst v63  }
0xec: {  	_ = 	snop  }
0xed: {  	[hbm4b:s5+s2] =	stream.indirect_vreg.scatter [tilespmem:s30], [sflag:$0x3], $0x80, v3, vm0, $0xb8;
	[tilespmem:$0x18200] =	vst v63  }
0xee: {  	_ = 	snop  }
0xef: {  	[hbm4b:s6+s2] =	stream.indirect_vreg.scatter [tilespmem:s31], [sflag:$0x3], $0x80, v3, vm0, $0xb8;
	[tilespmem:$0x18200] =	vst v63  }
0xf0: {  	_ =	swait.ge [sflag:s1], $0x6000  }
0xf1: {  	[sflag:s1] =	ssyncset.done $0x0  }
0xf2: {  	[sflag:s1] =	ssyncadd.s32 $0xFFFFA000  }
0xf3: {  	_ =	swait.ge [sflag:s1], $0x6000  }
0xf4: {  	[sflag:s1] =	ssyncset.done $0x0  }
0xf5: {  	[sflag:s1] =	ssyncadd.s32 $0xFFFFA000  }
0xf6: {  	p0 =	sne.s32 s7, $0x1;
	_ =	swait.ge [sflag:s1], $0x6000  }
.Ltmp0:
0xf7: {  	[sflag:s1] =	ssyncset.done $0x0;
	(pc) =	sbr.rel @p0 .LBB2_1-.Ltmp0, $4  }
0xf8: {  	[sflag:s1] =	ssyncadd.s32 $0xFFFFA000  }
0xf9: {  	_ =	swait.ge [sflag:s1], $0x6000  }
0xfa: {  	[sflag:s1] =	ssyncset.done $0x0  }
0xfb: {  	s7 =	sadd.s32 $0xFFFFFFFF, s7;
	[sflag:s1] =	ssyncadd.s32 $0xFFFFA000  }
0xfc: {  	_ =	sfence.sel $0x180000  }
0xfd: {  	[bflag:$0x0] =	sbarrier.arrive $0xFFFF  }
0xfe: {  	_ =	strace $0x90000047  }
0xff: {  	s0 =	stileid.u32;
	[bflag:$0x2] =	sbarrier.arrive $0xFFFF  }
0x100: {  	p0 =	sne.s32 s0, $0x0;
	s0 =	rddreg [dreg:$0x2]  }
0x101: {  	s0 =	sadd.s32 @!p0 $0x100000, s0  }
0x102: {  	[sflag:s0] =	ssyncadd.tile.s32 @!p0 $0x1;
	_ =	shalt  }
.Lfunc_end2:
_tile_overlayer_lowered:
.L_overlay_start_2:
0x103: {  	(tag) =	ssettag $0x2  }
0x104: {  	s0 =	rddreg [dreg:$0x0];
	s2 =	stileid.u32  }
0x105: {  	s1 =	rddreg [dreg:$0x1];
	p0 =	sne.s32 s2, $0x0  }
0x106: {  	s3 =	rddreg [dreg:$0x2];
	[bflag:$0x3] =	sbarrier.arrive $0xFFFF;
	s2 =	simm.s32 @!p0 $0x1C04  }
0x107: {  	[timem:s3], [sflag:s2] =	dma.local @!p0 [hbm:s0], s1  }
0x108: {  	s0 =	simm.s32 @!p0 $0x4  }
0x109: {  	_ =	swait.ge @!p0 [sflag:s0], s1  }
0x10a: {  	s1 =	ssub.s32 @!p0 $0x0, s1;
	[sflag:s0] =	ssyncset.done @!p0 $0x0  }
0x10b: {  	[sflag:s0] =	ssyncadd.s32 @!p0 s1  }
0x10c: {  	[bflag:$0x3] =	sbarrier.arrive $0xFFFF  }
0x10d: {  	_ =	shalt  }

// kernel: kernel.9.cloned.1.call-start
scs
__scs_entry_jumppad:
0x0: {  	(pc) =	sbr.rel $0x88, $3  }
0x1: {  	(tag) =	ssettag $0x0;
	lr =	simm.s32 $0x1  }
0x2: {  	[smem:$0x3F9D] =	sst lr;
	_ =	strace $0xD0000000  }
0x3: {  	_ = 	snop  }
0x4: {  	_ = 	snop  }
0x5: {  	_ = 	snop  }
0x6: {  	_ = 	snop  }
0x7: {  	_ = 	snop  }
__scs_overlays_trampoline_lowered:
0x8: {  	[smem:$0x3FAC] =	sst s0  }
0x9: {  	[smem:$0x3FAD] =	sst s1  }
0xa: {  	[smem:$0x3FAE] =	sst s2  }
0xb: {  	[smem:$0x3FAF] =	sst s3  }
0xc: {  	[smem:$0x3FB0] =	sst s4  }
0xd: {  	[smem:$0x3FB1] =	sst s5  }
0xe: {  	[smem:$0x3FB2] =	sst s6  }
0xf: {  	[smem:$0x3FB3] =	sst s7  }
0x10: {  	[smem:$0x3FB4] =	sst s8  }
0x11: {  	[smem:$0x3FB5] =	sst s9;
	s0 =	simm.s32 @!p0 $0x0  }
0x12: {  	s1 =	sld [smem:$0x3F9B];
	s0 =	simm.s32 @p0 $0x1  }
0x13: {  	[smem:$0x3FB6] =	sst s0;
	s0 =	simm.s32 @!p1 $0x0  }
0x14: {  	s2 =	sld [smem:$0x3F9A];
	s0 =	simm.s32 @p1 $0x1  }
0x15: {  	[smem:$0x3FB7] =	sst s0;
	s0 =	simm.s32 @!p2 $0x0  }
0x16: {  	s3 =	sld [smem:$0x3FDB];
	s0 =	simm.s32 @p2 $0x1  }
0x17: {  	s4 =	simm.s32 $0x1BF5;
	[smem:$0x3FB9] =	sst s0  }
0x18: {  	s0 =	sld [smem:$0x3F9C];
	_ =	swait.ge [sflag:s4], $0x0  }
0x19: {  	s7 =	sld [smem:$0x3F9D]  }
0x1a: {  	s8 =	sadd.s32 $0xFFFFE003, lr  }
0x1b: {  	s9 =	sadd.s32 $0xFFFFFEF7, lr;
	s5 =	simm.s32 $0xFFFFFFFF;
	p2 =	slt.u32 s8, $0xFFFFF086  }
0x1c: {  	p1 =	slt.u32 s9, $0xF7A;
	s5 =	simm.s32 @!p2 $0x0  }
0x1d: {  	s5 =	simm.s32 @p1 $0x1;
	p0 =	seq.s32 s7, s2  }
0x1e: {  	s7 =	smul.u32 @!p0 $0xF7A, s2;
	p2 =	seq.s32 @!p0 s5, $0x0  }
0x1f: {  	s9 =	smul.u32 $0xF7A, s1;
	s8 =	simm.s32 @!p0 $0x1BF5;
	p2 =	por !p2, p0  }
0x20: {  	[sflag:s8] =	ssyncset.s32 @!p0 $0xFFFFF086;
	s6 =	sadd.s32 @!p0 s3, s7;
	s7 =	simm.s32 @!p0 $0x108  }
0x21: {  	s3 =	sadd.s32 s3, s9;
	s6 =	sadd.s32 @!p0 $0x88, s6;
	s7 =	simm.s32 @p2 $0x1082  }
0x22: {  	[simem:s7], [sflag:s8] =	dma.local @!p0 [hbm:s6], $0xF7A  }
0x23: {  	s9 =	sor.u32 $0xD0000000, s2;
	s6 =	simm.s32 $0x108;
	_ =	swait.ge @!p0 [sflag:s8], $0x0  }
0x24: {  	s3 =	sadd.s32 $0x88, s3;
	s6 =	simm.s32 @!p1 $0x1082;
	[sflag:s4] =	ssyncset.s32 $0xFFFFF086  }
0x25: {  	[simem:s6], [sflag:s4] =	dma.local [hbm:s3], $0xF7A  }
0x26: {  	[smem:$0x3F9D] =	sst s1;
	(tag) =	ssettag s2;
	_ =	strace s9  }
0x27: {  	s1 =	sld [smem:$0x3FAD]  }
0x28: {  	s2 =	sld [smem:$0x3FAE]  }
0x29: {  	s4 =	sld [smem:$0x3FB0]  }
0x2a: {  	p0 =	seq.s32 s5, $0x0;
	s5 =	sld [smem:$0x3FB1]  }
0x2b: {  	s6 =	sld [smem:$0x3FB2]  }
0x2c: {  	s7 =	sld [smem:$0x3FB3]  }
0x2d: {  	s3 =	simm.s32 $0x108;
	s8 =	sld [smem:$0x3FB4]  }
0x2e: {  	s3 =	simm.s32 @!p0 $0x1082;
	s9 =	sld [smem:$0x3FB5]  }
0x2f: {  	lr =	sadd.s32 s0, s3;
	s0 =	sld [smem:$0x3FAC]  }
0x30: {  	s3 =	sld [smem:$0x3FAF]  }
0x31: {  	[smem:$0x3FB8] =	sst s10  }
0x32: {  	s10 =	sld [smem:$0x3FB6];
	_ =	sdelay $0x3  }
0x33: {  	p0 =	seq.s32 s10, $0x1;
	s10 =	sld [smem:$0x3FB8];
	_ =	sdelay $0x3  }
0x34: {  	[smem:$0x3FB8] =	sst s10  }
0x35: {  	s10 =	sld [smem:$0x3FB7];
	_ =	sdelay $0x3  }
0x36: {  	p1 =	seq.s32 s10, $0x1;
	s10 =	sld [smem:$0x3FB8];
	_ =	sdelay $0x3  }
0x37: {  	[smem:$0x3FB8] =	sst s10  }
0x38: {  	s10 =	sld [smem:$0x3FB9]  }
0x39: {  	_ = 	snop;
	(pc) =	sbr.ind lr, $3  }
0x3a: {  	_ = 	snop  }
0x3b: {  	_ = 	snop  }
0x3c: {  	p2 =	seq.s32 s10, $0x1;
	s10 =	sld [smem:$0x3FB8]  }
0x3d: {  	_ =	shalt  }
0x3e: {  	_ =	shalt  }
0x3f: {  	_ =	shalt  }
0x40: {  	_ =	shalt  }
0x41: {  	_ =	shalt  }
0x42: {  	_ =	shalt  }
0x43: {  	_ =	shalt  }
0x44: {  	_ =	shalt  }
0x45: {  	_ =	shalt  }
0x46: {  	_ =	shalt  }
0x47: {  	_ =	shalt  }
0x48: {  	_ =	shalt  }
0x49: {  	_ =	shalt  }
0x4a: {  	_ =	shalt  }
0x4b: {  	_ =	shalt  }
0x4c: {  	_ =	shalt  }
0x4d: {  	_ =	shalt  }
0x4e: {  	_ =	shalt  }
0x4f: {  	_ =	shalt  }
0x50: {  	_ =	shalt  }
0x51: {  	_ =	shalt  }
0x52: {  	_ =	shalt  }
0x53: {  	_ =	shalt  }
0x54: {  	_ =	shalt  }
0x55: {  	_ =	shalt  }
0x56: {  	_ =	shalt  }
0x57: {  	_ =	shalt  }
0x58: {  	_ =	shalt  }
0x59: {  	_ =	shalt  }
0x5a: {  	_ =	shalt  }
0x5b: {  	_ =	shalt  }
0x5c: {  	_ =	shalt  }
0x5d: {  	_ =	shalt  }
0x5e: {  	_ =	shalt  }
0x5f: {  	_ =	shalt  }
0x60: {  	_ =	shalt  }
0x61: {  	_ =	shalt  }
0x62: {  	_ =	shalt  }
0x63: {  	_ =	shalt  }
0x64: {  	_ =	shalt  }
0x65: {  	_ =	shalt  }
0x66: {  	_ =	shalt  }
0x67: {  	_ =	shalt  }
0x68: {  	_ =	shalt  }
0x69: {  	_ =	shalt  }
0x6a: {  	_ =	shalt  }
0x6b: {  	_ =	shalt  }
0x6c: {  	_ =	shalt  }
0x6d: {  	_ =	shalt  }
0x6e: {  	_ =	shalt  }
0x6f: {  	_ =	shalt  }
0x70: {  	_ =	shalt  }
0x71: {  	_ =	shalt  }
0x72: {  	_ =	shalt  }
0x73: {  	_ =	shalt  }
0x74: {  	_ =	shalt  }
0x75: {  	_ =	shalt  }
0x76: {  	_ =	shalt  }
0x77: {  	_ =	shalt  }
0x78: {  	_ =	shalt  }
0x79: {  	_ =	shalt  }
0x7a: {  	_ =	shalt  }
0x7b: {  	_ =	shalt  }
0x7c: {  	_ =	shalt  }
0x7d: {  	_ =	shalt  }
0x7e: {  	_ =	shalt  }
0x7f: {  	_ =	shalt  }
0x80: {  	_ =	shalt  }
0x81: {  	_ =	shalt  }
0x82: {  	_ =	shalt  }
0x83: {  	_ =	shalt  }
0x84: {  	_ =	shalt  }
0x85: {  	_ =	shalt  }
0x86: {  	_ =	shalt  }
0x87: {  	_ =	shalt  }
.Lfunc_end0:
.L_simem_size_0:
called_computation.1_lowered:
.L_overlay_start_0:
0x88: {  	s2 =	sld [smem:$0x3FD9]  }
0x89: {  	s3 =	sld [smem:$0x3FFE];
	_ =	sdelay $0x1  }
0x8a: {  	s1 =	srdreg.scid  }
0x8b: {  	s0 =	sand.u32 $0x1, s1  }
0x8c: {  	s17 =	sshll.u32 s0, $0xA;
	s2 =	sadd.s32 s3, s2  }
0x8d: {  	s2 =	sadd.s32 s2, s17  }
0x8e: {  	[smem:$0x3FC4] =	sst s2  }
0x8f: {  	_ = 	snop  }
0x90: {  	s2 =	sld [smem:$0x3FD0];
	(tm) =	ssettm $0x1  }
0x91: {  	s18 =	sld [smem:$0x3FFB];
	_ =	sdelay $0x3  }
0x92: {  	_ =	strace s18  }
0x93: {  	s3 =	sld [smem:$0x3FFC];
	_ =	sdelay $0x3  }
0x94: {  	_ =	strace s3  }
0x95: {  	s3 =	sld [smem:$0x3FFD];
	_ =	sdelay $0x3  }
0x96: {  	_ =	strace s3  }
0x97: {  	_ =	strace $0x8FFFFFFF  }
0x98: {  	s19 =	sld [smem:$0x3FDB];
	_ =	sdelay $0x1  }
0x99: {  	s4 =	simm.s32 $_scs_section_size  }
0x9a: {  	s5 =	simm.s32 $_size__tile_overlayer_lowered;
	s6 =	simm.s32 $_tile_overlayer_lowered  }
0x9b: {  	s22 =	simm.s32 $0x1BFF;
	s21 =	sshll.u32 s6, $0x1;
	s3 =	sadd.s32 s4, s19  }
0x9c: {  	s7 =	simm.s32 $0x0;
	s20 =	sshll.u32 s5, $0x1;
	s5 =	sadd.s32 s21, s3  }
0x9d: {  	[timem:s7], [sflag:s22] =	dma.local [hbm:s5], s20  }
0x9e: {  	_ =	swait.ge [sflag:s22], s20  }
0x9f: {  	s4 =	ssub.s32 $0x0, s20;
	[sflag:s22] =	ssyncset.done $0x0  }
0xa0: {  	[sflag:s22] =	ssyncadd.s32 s4;
	_ =	sdelay $0x1  }
0xa1: {  	s23 =	simm.s32 $0x1B8B  }
0xa2: {  	_ =	swait.ge [sflag:s23], $0x1  }
0xa3: {  	[sflag:s23] =	ssyncset.done $0x0  }
0xa4: {  	s25 =	simm.s32 $0x1B8E;
	s24 =	sld [smem:$0x3FFE];
	[sflag:s23] =	ssyncadd.s32 $0xFFFFFFFF  }
0xa5: {  	s26 =	simm.s32 $execute0_lowered;
	[smem:$0x3FD2] =	sst s25  }
0xa6: {  	s5 =	sshll.u32 s26, $0x1;
	_ =	strace $0x80000049;
	[dreg:$0x1] =	wrdreg $0xFFFFFFFF  }
0xa7: {  	s28 =	simm.s32 $_size_execute0_lowered;
	s3 =	sadd.s32 s3, s5;
	[dreg:$0x0] =	wrdreg $0x0  }
0xa8: {  	s5 =	sshll.u32 s28, $0x1;
	[dreg:$0x2] =	wrdreg s3  }
0xa9: {  	[dreg:$0x3] =	wrdreg s5  }
0xaa: {  	[dreg:$0x4] =	wrdreg $0xC0  }
0xab: {  	_ =	task [dreg:s7], $0x5FFFF  }
0xac: {  	[dreg:$0x1] =	wrdreg $0xFFFFFFFF  }
0xad: {  	[dreg:$0x0] =	wrdreg $0x60  }
0xae: {  	[dreg:$0x2] =	wrdreg s24  }
0xaf: {  	[dreg:$0x3] =	wrdreg s2  }
0xb0: {  	[dreg:$0x4] =	wrdreg $0x9  }
0xb1: {  	_ =	task.clear_ibuf [dreg:s7], $0x5FFFF;
	_ =	strace $0x90000049  }
0xb2: {  	s29 =	simm.s32 $0x9;
	_ =	strace $0x8000004B  }
0xb3: {  	_ =	swait.ge [sflag:s29], $0x1  }
0xb4: {  	[sflag:s29] =	ssyncadd.s32 $0xFFFFFFFF  }
0xb5: {  	_ =	strace $0x9000004B  }
0xb6: {  	_ =	sfence  }
0xb7: {  	s30 =	sld [smem:$0x0];
	_ =	sdelay $0x2  }
0xb8: {  	s31 =	sshll.u32 s1, $0xD;
	s1 =	sshrl.u32 s1, $0x2  }
0xb9: {  	s3 =	sand.u32 $0x4000, s31;
	s1 =	sadd.s32 s1, s30  }
0xba: {  	s0 =	sor.u32 s3, s0;
	s1 =	sshll.u32 s1, $0x11  }
0xbb: {  	s0 =	sor.u32 s1, s0  }
0xbc: {  	s0 =	sadd.s32 $0x8F2B, s0  }
0xbd: {  	[sflag:s0] =	ssyncadd.remote.s32 $0x1  }
0xbe: {  	_ =	sfence.sel $0xFFFF  }
0xbf: {  	[dreg:$0x0] =	wrdreg $0xFFFFFFFF;
	(pc) =	sbr.abs _section_cstart, $3  }
0xc0: {  	[dreg:$0x1] =	wrdreg $0xFFFFFFFF  }
0xc1: {  	_ =	task.clear_ibuf [dreg:s7], $0x2FFFF;
	_ =	strace $0x9FFFFFFF  }
0xc2: {  	(tm) =	ssettm $0x7FFFFFFF  }
0xc3: {  	_ =	shalt  }
tec
execute0_lowered:
.L_overlay_start_1:
0x0: {  	(tag) =	ssettag $0x1  }
0x1: {  	s1 =	srdreg.scid  }
0x2: {  	s0 =	stileid.u32;
	s1 =	sand.u32 $0x1, s1  }
0x3: {  	s5 =	rddreg [dreg:$0x0];
	s2 =	sshll.u32 s0, $0x8;
	s3 =	sshll.u32 s1, $0x7  }
0x4: {  	s4 =	rddreg [dreg:$0x1];
	s3 =	sor.u32 s3, s2;
	s2 =	simm.s32 $0x0  }
0x5: {  	s13 =	simm.s32 $0x80;
	[smem:$0x7FF] =	sst s2  }
0x6: {  	s14 =	simm.s32 $0x100;
	_ =	strace $0x8000004A;
	[dreg:$0xa] =	wrdreg s13  }
0x7: {  	s15 =	simm.s32 $0x180;
	s16 =	simm.s32 $0xA00;
	[dreg:$0xb] =	wrdreg s14  }
0x8: {  	s17 =	simm.s32 $0x1200;
	s18 =	simm.s32 $0x1A00;
	[dreg:$0xc] =	wrdreg s15  }
0x9: {  	s19 =	simm.s32 $0x2200;
	s21 =	simm.s32 $0x2A00;
	[dreg:$0xd] =	wrdreg s16  }
0xa: {  	s22 =	simm.s32 $0x3200;
	s23 =	simm.s32 $0x3A00;
	[dreg:$0xe] =	wrdreg s17  }
0xb: {  	s24 =	simm.s32 $0x4A00;
	s25 =	simm.s32 $0x5200;
	[dreg:$0xf] =	wrdreg s18  }
0xc: {  	s8 =	simm.s32 $0x200;
	s26 =	simm.s32 $0x5A00;
	[dreg:$0x10] =	wrdreg s19  }
0xd: {  	s28 =	simm.s32 $0xEA00;
	s29 =	simm.s32 $0xF200;
	[dreg:$0x11] =	wrdreg s21  }
0xe: {  	s30 =	simm.s32 $0xFA00;
	s1 =	ssub.s32 $0x2, s1;
	[dreg:$0x12] =	wrdreg s22  }
0xf: {  	s31 =	simm.s32 $0x2;
	s20 =	sshrl.u32 s1, $0x1;
	[dreg:$0x13] =	wrdreg s23  }
0x10: {  	s6 =	sshrl.u32 s3, $0x3;
	s3 =	sshll.u32 s3, $0x6;
	[dreg:$0x14] =	wrdreg s24  }
0x11: {  	s1 =	ssub.s32 s1, s20;
	s20 =	simm.s32 $0xB200;
	[dreg:$0x15] =	wrdreg s25  }
0x12: {  	s6 =	sadd.s32 s6, s5;
	s3 =	sadd.s32 s4, s3;
	[dreg:$0x16] =	wrdreg s26  }
0x13: {  	s13 =	simm.s32 $0x7A00;
	s14 =	simm.s32 $0x8200;
	s15 =	simm.s32 $0x8A00  }
0x14: {  	s16 =	simm.s32 $0x9200;
	s17 =	simm.s32 $0x9A00;
	s7 =	sadd.s32 $0x1200, s6  }
0x15: {  	s18 =	simm.s32 $0xA200;
	s9 =	sadd.s32 $0x1204, s6;
	[dreg:$0x3] =	wrdreg s7  }
0x16: {  	s19 =	simm.s32 $0xAA00;
	s10 =	sadd.s32 $0x1208, s6;
	[dreg:$0x4] =	wrdreg s9  }
0x17: {  	s21 =	simm.s32 $0xBA00;
	s6 =	sadd.s32 $0x120C, s6;
	[dreg:$0x5] =	wrdreg s10  }
0x18: {  	s22 =	simm.s32 $0xC200;
	s4 =	sadd.s32 $0x800, s3;
	[dreg:$0x6] =	wrdreg s6  }
0x19: {  	s23 =	simm.s32 $0xCA00;
	s11 =	sadd.s32 $0x1000, s3;
	[dreg:$0x7] =	wrdreg s4  }
0x1a: {  	s24 =	simm.s32 $0xD200;
	s12 =	sadd.s32 $0x1800, s3;
	[dreg:$0x8] =	wrdreg s11  }
0x1b: {  	v2 =	vlaneseq.u32;
	s25 =	simm.s32 $0xDA00;
	s26 =	simm.s32 $0xE200;
	[dreg:$0x9] =	wrdreg s12  }
0x1c: {  	vm0 =	vmmov $0xffff;
	v1 =	vshrl.u32 v2, $0x3;
	s4 =	sadd.s32 $0x91400, s5;
	s5 =	sadd.s32 $0x91500, s5;
	s6 =	smax.u32 s1, $0x1  }
0x1d: {  	v0 =	vand.u32 $0x7, v2;
	v2 =	vor.u32 $0x8, v2;
	v1 =	vmul.u32 $0x8, v1;
	s7 =	simm.s32 $0x1;
	s9 =	simm.s32 $0x4200;
	s1 =	simm.s32 $0x3  }
.LBB2_1:
0x1e: {  	s0 =	rddreg [dreg:$0x3]  }
0x1f: {  	s10 =	rddreg [dreg:$0x4]  }
0x20: {  	s11 =	rddreg [dreg:$0xa]  }
0x21: {  	s12 =	rddreg [dreg:$0xc]  }
0x22: {  	[tilespmem:s2], [sflag:$0x1] =	stream.linear.gather [hbm4b:s0+s2], $0x20, $0x38;
	[tilespmem:$0x10200] =	vst v63  }
0x23: {  	s0 =	rddreg [dreg:$0x5]  }
0x24: {  	[tilespmem:s11], [sflag:$0x1] =	stream.linear.gather [hbm4b:s10+s2], $0x20, $0x38;
	[tilespmem:$0x10200] =	vst v63  }
0x25: {  	s10 =	rddreg [dreg:$0xb]  }
0x26: {  	[tilespmem:s10], [sflag:$0x1] =	stream.linear.gather [hbm4b:s0+s2], $0x20, $0x38;
	[tilespmem:$0x10200] =	vst v63  }
0x27: {  	s11 =	rddreg [dreg:$0x6]  }
0x28: {  	[tilespmem:s12], [sflag:$0x1] =	stream.linear.gather [hbm4b:s11+s2], $0x20, $0x38;
	[tilespmem:$0x10200] =	vst v63  }
0x29: {  	_ =	swait.ge [sflag:s7], $0x20  }
0x2a: {  	[sflag:s7] =	ssyncset.done $0x0  }
0x2b: {  	[sflag:s7] =	ssyncadd.s32 $0xFFFFFFE0  }
0x2c: {  	v3 =	vld [tilespmem:$0x0];
	_ =	sdelay $0x4  }
0x2d: {  	v4 =	vshll.u32 v3, $0x2  }
0x2e: {  	v3 =	vand.u32 $0x7, v3;
	v4 =	vand.u32 $0xFFFFFFE0, v4  }
0x2f: {  	v3 =	vor.u32 v3, v4  }
0x30: {  	v4 =	vperm.xlane v3, v0;
	_ =	sdelay $0x1  }
0x31: {  	v4 =	vadd.s32 v1, v4;
	_ =	sdelay $0x1  }
0x32: {  	v3 =	vperm.xlane v3, v2;
	_ =	sdelay $0x1  }
0x33: {  	v3 =	vadd.s32 v1, v3  }
0x34: {  	[tilespmem:s8], [sflag:$0x2] =	stream.indirect_vreg.gather [hbm4b:s4+s2], $0x80, v4, vm0, $0xb8;
	[tilespmem:$0x10200] =	vst v63  }
0x35: {  	s10 =	rddreg [dreg:$0xd]  }
0x36: {  	[tilespmem:s10], [sflag:$0x2] =	stream.indirect_vreg.gather [hbm4b:s5+s2], $0x80, v4, vm0, $0xb8;
	[tilespmem:$0x10200] =	vst v63  }
0x37: {  	s11 =	rddreg [dreg:$0xe]  }
0x38: {  	[tilespmem:s11], [sflag:$0x2] =	stream.indirect_vreg.gather [hbm4b:s4+s2], $0x80, v3, vm0, $0xb8;
	[tilespmem:$0x10200] =	vst v63  }
0x39: {  	s12 =	rddreg [dreg:$0xf]  }
0x3a: {  	[tilespmem:s12], [sflag:$0x2] =	stream.indirect_vreg.gather [hbm4b:s5+s2], $0x80, v3, vm0, $0xb8;
	[tilespmem:$0x10200] =	vst v63  }
0x3b: {  	v3 =	vld [tilespmem:$0x10];
	_ =	sdelay $0x4  }
0x3c: {  	v57 =	vshll.u32 v3, $0x2  }
0x3d: {  	v3 =	vand.u32 $0x7, v3;
	v4 =	vand.u32 $0xFFFFFFE0, v57  }
0x3e: {  	v3 =	vor.u32 v3, v4  }
0x3f: {  	v4 =	vperm.xlane v3, v0;
	_ =	sdelay $0x1  }
0x40: {  	v4 =	vadd.s32 v1, v4;
	_ =	sdelay $0x1  }
0x41: {  	v3 =	vperm.xlane v3, v2;
	_ =	sdelay $0x1  }
0x42: {  	s11 =	rddreg [dreg:$0x10];
	v3 =	vadd.s32 v1, v3  }
0x43: {  	[tilespmem:s11], [sflag:$0x2] =	stream.indirect_vreg.gather [hbm4b:s4+s2], $0x80, v4, vm0, $0xb8;
	[tilespmem:$0x10200] =	vst v63  }
0x44: {  	s12 =	rddreg [dreg:$0x11]  }
0x45: {  	[tilespmem:s12], [sflag:$0x2] =	stream.indirect_vreg.gather [hbm4b:s5+s2], $0x80, v4, vm0, $0xb8;
	[tilespmem:$0x10200] =	vst v63  }
0x46: {  	s11 =	rddreg [dreg:$0x12]  }
0x47: {  	[tilespmem:s11], [sflag:$0x2] =	stream.indirect_vreg.gather [hbm4b:s4+s2], $0x80, v3, vm0, $0xb8;
	[tilespmem:$0x10200] =	vst v63  }
0x48: {  	s12 =	rddreg [dreg:$0x13]  }
0x49: {  	[tilespmem:s12], [sflag:$0x2] =	stream.indirect_vreg.gather [hbm4b:s5+s2], $0x80, v3, vm0, $0xb8;
	[tilespmem:$0x10200] =	vst v63  }
0x4a: {  	_ =	swait.ge [sflag:s7], $0x20  }
0x4b: {  	[sflag:s7] =	ssyncset.done $0x0  }
0x4c: {  	[sflag:s7] =	ssyncadd.s32 $0xFFFFFFE0  }
0x4d: {  	v3 =	vld [tilespmem:$0x80];
	_ =	sdelay $0x4  }
0x4e: {  	v58 =	vshll.u32 v3, $0x2  }
0x4f: {  	v3 =	vand.u32 $0x7, v3;
	v4 =	vand.u32 $0xFFFFFFE0, v58  }
0x50: {  	v3 =	vor.u32 v3, v4  }
0x51: {  	v4 =	vperm.xlane v3, v0;
	_ =	sdelay $0x1  }
0x52: {  	v4 =	vadd.s32 v1, v4;
	_ =	sdelay $0x1  }
0x53: {  	v3 =	vperm.xlane v3, v2;
	_ =	sdelay $0x1  }
0x54: {  	v3 =	vadd.s32 v1, v3  }
0x55: {  	[tilespmem:s9], [sflag:$0x2] =	stream.indirect_vreg.gather [hbm4b:s4+s2], $0x80, v4, vm0, $0xb8;
	[tilespmem:$0x10200] =	vst v63  }
0x56: {  	s10 =	rddreg [dreg:$0x14]  }
0x57: {  	[tilespmem:s10], [sflag:$0x2] =	stream.indirect_vreg.gather [hbm4b:s5+s2], $0x80, v4, vm0, $0xb8;
	[tilespmem:$0x10200] =	vst v63  }
0x58: {  	s11 =	rddreg [dreg:$0x15]  }
0x59: {  	[tilespmem:s11], [sflag:$0x2] =	stream.indirect_vreg.gather [hbm4b:s4+s2], $0x80, v3, vm0, $0xb8;
	[tilespmem:$0x10200] =	vst v63  }
0x5a: {  	s12 =	rddreg [dreg:$0x16]  }
0x5b: {  	[tilespmem:s12], [sflag:$0x2] =	stream.indirect_vreg.gather [hbm4b:s5+s2], $0x80, v3, vm0, $0xb8;
	[tilespmem:$0x10200] =	vst v63  }
0x5c: {  	v3 =	vld [tilespmem:$0x90];
	_ =	sdelay $0x4  }
0x5d: {  	v59 =	vshll.u32 v3, $0x2  }
0x5e: {  	v3 =	vand.u32 $0x7, v3;
	v4 =	vand.u32 $0xFFFFFFE0, v59  }
0x5f: {  	v3 =	vor.u32 v3, v4  }
0x60: {  	v4 =	vperm.xlane v3, v0;
	_ =	sdelay $0x1  }
0x61: {  	v4 =	vadd.s32 v1, v4;
	_ =	sdelay $0x1  }
0x62: {  	v3 =	vperm.xlane v3, v2;
	_ =	sdelay $0x1  }
0x63: {  	s10 =	simm.s32 $0x6200;
	v3 =	vadd.s32 v1, v3  }
0x64: {  	[tilespmem:s10], [sflag:$0x2] =	stream.indirect_vreg.gather [hbm4b:s4+s2], $0x80, v4, vm0, $0xb8;
	[tilespmem:$0x10200] =	vst v63  }
0x65: {  	s11 =	simm.s32 $0x6A00  }
0x66: {  	[tilespmem:s11], [sflag:$0x2] =	stream.indirect_vreg.gather [hbm4b:s5+s2], $0x80, v4, vm0, $0xb8;
	[tilespmem:$0x10200] =	vst v63  }
0x67: {  	s12 =	simm.s32 $0x7200  }
0x68: {  	[tilespmem:s12], [sflag:$0x2] =	stream.indirect_vreg.gather [hbm4b:s4+s2], $0x80, v3, vm0, $0xb8;
	[tilespmem:$0x10200] =	vst v63  }
0x69: {  	_ = 	snop  }
0x6a: {  	[tilespmem:s13], [sflag:$0x2] =	stream.indirect_vreg.gather [hbm4b:s5+s2], $0x80, v3, vm0, $0xb8;
	[tilespmem:$0x10200] =	vst v63  }
0x6b: {  	_ =	swait.ge [sflag:s7], $0x20  }
0x6c: {  	[sflag:s7] =	ssyncset.done $0x0  }
0x6d: {  	[sflag:s7] =	ssyncadd.s32 $0xFFFFFFE0  }
0x6e: {  	v3 =	vld [tilespmem:$0x100];
	_ =	sdelay $0x4  }
0x6f: {  	v60 =	vshll.u32 v3, $0x2  }
0x70: {  	v3 =	vand.u32 $0x7, v3;
	v4 =	vand.u32 $0xFFFFFFE0, v60  }
0x71: {  	v3 =	vor.u32 v3, v4  }
0x72: {  	v4 =	vperm.xlane v3, v0;
	_ =	sdelay $0x1  }
0x73: {  	v4 =	vadd.s32 v1, v4;
	_ =	sdelay $0x1  }
0x74: {  	v3 =	vperm.xlane v3, v2;
	_ =	sdelay $0x1  }
0x75: {  	v3 =	vadd.s32 v1, v3  }
0x76: {  	[tilespmem:s14], [sflag:$0x2] =	stream.indirect_vreg.gather [hbm4b:s4+s2], $0x80, v4, vm0, $0xb8;
	[tilespmem:$0x10200] =	vst v63  }
0x77: {  	_ = 	snop  }
0x78: {  	[tilespmem:s15], [sflag:$0x2] =	stream.indirect_vreg.gather [hbm4b:s5+s2], $0x80, v4, vm0, $0xb8;
	[tilespmem:$0x10200] =	vst v63  }
0x79: {  	_ = 	snop  }
0x7a: {  	[tilespmem:s16], [sflag:$0x2] =	stream.indirect_vreg.gather [hbm4b:s4+s2], $0x80, v3, vm0, $0xb8;
	[tilespmem:$0x10200] =	vst v63  }
0x7b: {  	_ = 	snop  }
0x7c: {  	[tilespmem:s17], [sflag:$0x2] =	stream.indirect_vreg.gather [hbm4b:s5+s2], $0x80, v3, vm0, $0xb8;
	[tilespmem:$0x10200] =	vst v63  }
0x7d: {  	v3 =	vld [tilespmem:$0x110];
	_ =	sdelay $0x4  }
0x7e: {  	v61 =	vshll.u32 v3, $0x2  }
0x7f: {  	v3 =	vand.u32 $0x7, v3;
	v4 =	vand.u32 $0xFFFFFFE0, v61  }
0x80: {  	v3 =	vor.u32 v3, v4  }
0x81: {  	v4 =	vperm.xlane v3, v0;
	_ =	sdelay $0x1  }
0x82: {  	v4 =	vadd.s32 v1, v4;
	_ =	sdelay $0x1  }
0x83: {  	v3 =	vperm.xlane v3, v2;
	_ =	sdelay $0x1  }
0x84: {  	v3 =	vadd.s32 v1, v3  }
0x85: {  	[tilespmem:s18], [sflag:$0x2] =	stream.indirect_vreg.gather [hbm4b:s4+s2], $0x80, v4, vm0, $0xb8;
	[tilespmem:$0x10200] =	vst v63  }
0x86: {  	_ = 	snop  }
0x87: {  	[tilespmem:s19], [sflag:$0x2] =	stream.indirect_vreg.gather [hbm4b:s5+s2], $0x80, v4, vm0, $0xb8;
	[tilespmem:$0x10200] =	vst v63  }
0x88: {  	_ = 	snop  }
0x89: {  	[tilespmem:s20], [sflag:$0x2] =	stream.indirect_vreg.gather [hbm4b:s4+s2], $0x80, v3, vm0, $0xb8;
	[tilespmem:$0x10200] =	vst v63  }
0x8a: {  	_ = 	snop  }
0x8b: {  	[tilespmem:s21], [sflag:$0x2] =	stream.indirect_vreg.gather [hbm4b:s5+s2], $0x80, v3, vm0, $0xb8;
	[tilespmem:$0x10200] =	vst v63  }
0x8c: {  	_ =	swait.ge [sflag:s7], $0x20  }
0x8d: {  	[sflag:s7] =	ssyncset.done $0x0  }
0x8e: {  	[sflag:s7] =	ssyncadd.s32 $0xFFFFFFE0  }
0x8f: {  	v3 =	vld [tilespmem:$0x180];
	_ =	sdelay $0x4  }
0x90: {  	v62 =	vshll.u32 v3, $0x2  }
0x91: {  	v3 =	vand.u32 $0x7, v3;
	v4 =	vand.u32 $0xFFFFFFE0, v62  }
0x92: {  	v3 =	vor.u32 v3, v4  }
0x93: {  	v4 =	vperm.xlane v3, v0;
	_ =	sdelay $0x1  }
0x94: {  	v4 =	vadd.s32 v1, v4;
	_ =	sdelay $0x1  }
0x95: {  	v3 =	vperm.xlane v3, v2;
	_ =	sdelay $0x1  }
0x96: {  	v3 =	vadd.s32 v1, v3  }
0x97: {  	[tilespmem:s22], [sflag:$0x2] =	stream.indirect_vreg.gather [hbm4b:s4+s2], $0x80, v4, vm0, $0xb8;
	[tilespmem:$0x10200] =	vst v63  }
0x98: {  	_ = 	snop  }
0x99: {  	[tilespmem:s23], [sflag:$0x2] =	stream.indirect_vreg.gather [hbm4b:s5+s2], $0x80, v4, vm0, $0xb8;
	[tilespmem:$0x10200] =	vst v63  }
0x9a: {  	_ = 	snop  }
0x9b: {  	[tilespmem:s24], [sflag:$0x2] =	stream.indirect_vreg.gather [hbm4b:s4+s2], $0x80, v3, vm0, $0xb8;
	[tilespmem:$0x10200] =	vst v63  }
0x9c: {  	_ = 	snop  }
0x9d: {  	[tilespmem:s25], [sflag:$0x2] =	stream.indirect_vreg.gather [hbm4b:s5+s2], $0x80, v3, vm0, $0xb8;
	[tilespmem:$0x10200] =	vst v63  }
0x9e: {  	v3 =	vld [tilespmem:$0x190];
	_ =	sdelay $0x4  }
0x9f: {  	v63 =	vshll.u32 v3, $0x2  }
0xa0: {  	v3 =	vand.u32 $0x7, v3;
	v4 =	vand.u32 $0xFFFFFFE0, v63  }
0xa1: {  	v3 =	vor.u32 v3, v4  }
0xa2: {  	v4 =	vperm.xlane v3, v0;
	_ =	sdelay $0x1  }
0xa3: {  	v4 =	vadd.s32 v1, v4;
	_ =	sdelay $0x1  }
0xa4: {  	v3 =	vperm.xlane v3, v2;
	_ =	sdelay $0x1  }
0xa5: {  	v3 =	vadd.s32 v1, v3  }
0xa6: {  	[tilespmem:s26], [sflag:$0x2] =	stream.indirect_vreg.gather [hbm4b:s4+s2], $0x80, v4, vm0, $0xb8;
	[tilespmem:$0x10200] =	vst v63  }
0xa7: {  	_ = 	snop  }
0xa8: {  	[tilespmem:s28], [sflag:$0x2] =	stream.indirect_vreg.gather [hbm4b:s5+s2], $0x80, v4, vm0, $0xb8;
	[tilespmem:$0x10200] =	vst v63  }
0xa9: {  	_ = 	snop  }
0xaa: {  	[tilespmem:s29], [sflag:$0x2] =	stream.indirect_vreg.gather [hbm4b:s4+s2], $0x80, v3, vm0, $0xb8;
	[tilespmem:$0x10200] =	vst v63  }
0xab: {  	_ = 	snop  }
0xac: {  	[tilespmem:s30], [sflag:$0x2] =	stream.indirect_vreg.gather [hbm4b:s5+s2], $0x80, v3, vm0, $0xb8;
	[tilespmem:$0x10200] =	vst v63  }
0xad: {  	_ =	swait.ge [sflag:s31], $0x4000  }
0xae: {  	[sflag:s31] =	ssyncset.done $0x0  }
0xaf: {  	[sflag:s31] =	ssyncadd.s32 $0xFFFFC000  }
0xb0: {  	[hbm4b:s3+s2] =	stream.linear.scatter [tilespmem:s8], [sflag:$0x3], $0x4000, $0x38;
	[tilespmem:$0x10200] =	vst v63  }
0xb1: {  	_ =	swait.ge [sflag:s31], $0x4000  }
0xb2: {  	[sflag:s31] =	ssyncset.done $0x0  }
0xb3: {  	s10 =	rddreg [dreg:$0x7];
	[sflag:s31] =	ssyncadd.s32 $0xFFFFC000  }
0xb4: {  	[hbm4b:s10+s2] =	stream.linear.scatter [tilespmem:s9], [sflag:$0x3], $0x4000, $0x38;
	[tilespmem:$0x10200] =	vst v63  }
0xb5: {  	_ =	swait.ge [sflag:s31], $0x4000  }
0xb6: {  	[sflag:s31] =	ssyncset.done $0x0  }
0xb7: {  	s11 =	rddreg [dreg:$0x8];
	[sflag:s31] =	ssyncadd.s32 $0xFFFFC000  }
0xb8: {  	[hbm4b:s11+s2] =	stream.linear.scatter [tilespmem:s14], [sflag:$0x3], $0x4000, $0x38;
	[tilespmem:$0x10200] =	vst v63  }
0xb9: {  	_ =	swait.ge [sflag:s31], $0x4000  }
0xba: {  	[sflag:s31] =	ssyncset.done $0x0  }
0xbb: {  	s12 =	rddreg [dreg:$0x9];
	[sflag:s31] =	ssyncadd.s32 $0xFFFFC000  }
0xbc: {  	[hbm4b:s12+s2] =	stream.linear.scatter [tilespmem:s22], [sflag:$0x3], $0x4000, $0x38;
	[tilespmem:$0x10200] =	vst v63  }
0xbd: {  	_ =	swait.ge [sflag:s1], $0x4000  }
0xbe: {  	[sflag:s1] =	ssyncset.done $0x0  }
0xbf: {  	[sflag:s1] =	ssyncadd.s32 $0xFFFFC000  }
0xc0: {  	_ =	swait.ge [sflag:s1], $0x4000  }
0xc1: {  	[sflag:s1] =	ssyncset.done $0x0  }
0xc2: {  	[sflag:s1] =	ssyncadd.s32 $0xFFFFC000  }
0xc3: {  	p0 =	sne.s32 s6, $0x1;
	_ =	swait.ge [sflag:s1], $0x4000  }
.Ltmp0:
0xc4: {  	[sflag:s1] =	ssyncset.done $0x0;
	(pc) =	sbr.rel @p0 .LBB2_1-.Ltmp0, $4  }
0xc5: {  	[sflag:s1] =	ssyncadd.s32 $0xFFFFC000  }
0xc6: {  	_ =	swait.ge [sflag:s1], $0x4000  }
0xc7: {  	[sflag:s1] =	ssyncset.done $0x0  }
0xc8: {  	s6 =	sadd.s32 $0xFFFFFFFF, s6;
	[sflag:s1] =	ssyncadd.s32 $0xFFFFC000  }
0xc9: {  	_ =	sfence.sel $0x180000  }
0xca: {  	[bflag:$0x0] =	sbarrier.arrive $0xFFFF  }
0xcb: {  	_ =	strace $0x9000004A  }
0xcc: {  	s0 =	stileid.u32;
	[bflag:$0x2] =	sbarrier.arrive $0xFFFF  }
0xcd: {  	p0 =	sne.s32 s0, $0x0;
	s0 =	rddreg [dreg:$0x2]  }
0xce: {  	s0 =	sadd.s32 @!p0 $0x100000, s0  }
0xcf: {  	[sflag:s0] =	ssyncadd.tile.s32 @!p0 $0x1;
	_ =	shalt  }
.Lfunc_end2:
_tile_overlayer_lowered:
.L_overlay_start_2:
0xd0: {  	(tag) =	ssettag $0x2  }
0xd1: {  	s0 =	rddreg [dreg:$0x0];
	s2 =	stileid.u32  }
0xd2: {  	s1 =	rddreg [dreg:$0x1];
	p0 =	sne.s32 s2, $0x0  }
0xd3: {  	s3 =	rddreg [dreg:$0x2];
	[bflag:$0x3] =	sbarrier.arrive $0xFFFF;
	s2 =	simm.s32 @!p0 $0x1C04  }
0xd4: {  	[timem:s3], [sflag:s2] =	dma.local @!p0 [hbm:s0], s1  }
0xd5: {  	s0 =	simm.s32 @!p0 $0x4  }
0xd6: {  	_ =	swait.ge @!p0 [sflag:s0], s1  }
0xd7: {  	s1 =	ssub.s32 @!p0 $0x0, s1;
	[sflag:s0] =	ssyncset.done @!p0 $0x0  }
0xd8: {  	[sflag:s0] =	ssyncadd.s32 @!p0 s1  }
0xd9: {  	[bflag:$0x3] =	sbarrier.arrive $0xFFFF  }
0xda: {  	_ =	shalt  }

</sc_bundles>
